<compile_context>
chip_gen: v7x
topology: tpu7x:2x2x1
jax: 0.10.2.dev20260603
libtpu: 0.0.44.dev20260713+nightly
codegen_flags: <defaults>
</compile_context>

<pallas_src>
import functools

import jax
import jax.numpy as jnp
from jax import lax
from jax.experimental import pallas as pl
from jax.experimental.pallas import tpu as pltpu
from jax.experimental.pallas import tpu_sc as plsc

_N = 10000
_E = 320000
_NC = 2
_NS = 16
_NW = _NC * _NS
_EPT = _E // _NW
_K = 100
_NCH = _EPT // _K
_NPAIR = _NCH // 2
_STRIPE = _N // _NS
_ZB = 25
_DEG_D = 16


def _mesh():
    return plsc.VectorSubcoreMesh(core_axis_name="c", subcore_axis_name="s")


_SC_PARAMS = pltpu.CompilerParams(use_tc_tiling_on_sc=False)


def _sc_degree(edge4):

    @functools.partial(
        pl.kernel,
        out_type=jax.ShapeDtypeStruct((_NC, _N, _DEG_D), jnp.float32),
        mesh=_mesh(),
        compiler_params=_SC_PARAMS,
        scratch_types=[
            pltpu.VMEM((_NCH, _K), jnp.int32),
            pltpu.VMEM((_K, _DEG_D), jnp.float32),
            pltpu.VMEM((_ZB, _DEG_D), jnp.float32),
            pltpu.VMEM_SHARED((_N, _DEG_D), jnp.float32),
        ],
    )
    def k(edge_hbm, out_hbm, dstv, ones, zbuf, acc):
        c = lax.axis_index("c")
        s = lax.axis_index("s")
        wid = c * _NS + s

        one16 = jnp.ones((16,), jnp.float32)
        zero16 = jnp.zeros((16,), jnp.float32)

        def fill(i, _):
            ones[i] = one16
            return 0

        lax.fori_loop(0, _K, fill, 0)

        def zfill(i, _):
            zbuf[i] = zero16
            return 0

        lax.fori_loop(0, _ZB, zfill, 0)

        base = s * _STRIPE

        def zcopy(i, _):
            pltpu.sync_copy(zbuf, acc.at[pl.ds(base + i * _ZB, _ZB)])
            return 0

        lax.fori_loop(0, _STRIPE // _ZB, zcopy, 0)
        plsc.subcore_barrier()

        pltpu.sync_copy(edge_hbm.at[1, wid], dstv)

        def chunk(j, _):
            pltpu.sync_copy(ones, acc.at[dstv.at[j]], add=True)
            return 0

        lax.fori_loop(0, _NCH, chunk, 0)
        plsc.subcore_barrier()

        pltpu.sync_copy(acc.at[pl.ds(base, _STRIPE)],
                        out_hbm.at[c, pl.ds(base, _STRIPE)])

    return k(edge4)


def _sc_segsum(hd, edge4, df):

    @functools.partial(
        pl.kernel,
        out_type=jax.ShapeDtypeStruct((_NC, _N, df), jnp.float32),
        mesh=_mesh(),
        compiler_params=_SC_PARAMS,
        scratch_types=[
            pltpu.VMEM((_NCH, _K), jnp.int32),
            pltpu.VMEM((_NCH, _K), jnp.int32),
            pltpu.VMEM((_K, df), jnp.float32),
            pltpu.VMEM((_K, df), jnp.float32),
            pltpu.VMEM((_ZB, df), jnp.float32),
            pltpu.VMEM_SHARED((_N, df), jnp.float32),
            pltpu.SemaphoreType.DMA,
            pltpu.SemaphoreType.DMA,
        ],
    )
    def k(hd_hbm, edge_hbm, out_hbm,
          srcv, dstv, rows_a, rows_b, zbuf, acc, sem_a, sem_b):
        c = lax.axis_index("c")
        s = lax.axis_index("s")
        wid = c * _NS + s

        zero16 = jnp.zeros((16,), jnp.float32)

        def zfill(i, _):
            for q in range(df // 16):
                zbuf[i, pl.ds(q * 16, 16)] = zero16
            return 0

        lax.fori_loop(0, _ZB, zfill, 0)

        base = s * _STRIPE

        def zcopy(i, _):
            pltpu.sync_copy(zbuf, acc.at[pl.ds(base + i * _ZB, _ZB)])
            return 0

        lax.fori_loop(0, _STRIPE // _ZB, zcopy, 0)
        plsc.subcore_barrier()

        pltpu.sync_copy(edge_hbm.at[0, wid], srcv)
        pltpu.sync_copy(edge_hbm.at[1, wid], dstv)

        pltpu.async_copy(hd_hbm.at[srcv.at[0]], rows_a, sem_a)

        def pair(j0, _):
            j = 2 * j0
            pltpu.async_copy(hd_hbm.at[srcv.at[j + 1]], rows_b, sem_b)
            pltpu.make_async_copy(hd_hbm.at[srcv.at[j]], rows_a, sem_a).wait()
            pltpu.sync_copy(rows_a, acc.at[dstv.at[j]], add=True)

            @pl.when(j0 < _NPAIR - 1)
            def _():
                pltpu.async_copy(hd_hbm.at[srcv.at[j + 2]], rows_a, sem_a)

            pltpu.make_async_copy(hd_hbm.at[srcv.at[j + 1]], rows_b, sem_b).wait()
            pltpu.sync_copy(rows_b, acc.at[dstv.at[j + 1]], add=True)
            return 0

        lax.fori_loop(0, _NPAIR, pair, 0)
        plsc.subcore_barrier()

        pltpu.sync_copy(acc.at[pl.ds(base, _STRIPE)],
                        out_hbm.at[c, pl.ds(base, _STRIPE)])

    return k(hd, edge4)


_BM = 400
_GRID = _N // _BM


def _tc_mm1(x, W1, degp):
    d = x.shape[1]

    def body(x_ref, w_ref, dp_ref, hd_ref, dis_ref):
        deg = dp_ref[0, :, 0:1] + dp_ref[1, :, 0:1] + 1.0
        dis = lax.rsqrt(deg)
        h = jnp.dot(x_ref[...], w_ref[...],
                    preferred_element_type=jnp.float32)
        hd_ref[...] = h * dis
        dis_ref[...] = jnp.broadcast_to(dis, (_BM, _DEG_D))

    return pl.pallas_call(
        body,
        grid=(_GRID,),
        in_specs=[
            pl.BlockSpec((_BM, d), lambda i: (i, 0)),
            pl.BlockSpec((d, d), lambda i: (0, 0)),
            pl.BlockSpec((_NC, _BM, _DEG_D), lambda i: (0, i, 0)),
        ],
        out_specs=[
            pl.BlockSpec((_BM, d), lambda i: (i, 0)),
            pl.BlockSpec((_BM, _DEG_D), lambda i: (i, 0)),
        ],
        out_shape=[
            jax.ShapeDtypeStruct((_N, d), jnp.float32),
            jax.ShapeDtypeStruct((_N, _DEG_D), jnp.float32),
        ],
    )(x, W1, degp)


def _tc_mid(p1, hd1, dis16, b1, W2, c_pad):
    d = hd1.shape[1]
    c_out = W2.shape[1]

    def body(p_ref, hd_ref, dis_ref, b_ref, w_ref, out_ref):
        dis = dis_ref[:, 0:1]
        pre = (p_ref[0] + p_ref[1] + hd_ref[...]) * dis + b_ref[...]
        a1 = jnp.maximum(pre, 0.0)
        h2 = jnp.dot(a1, w_ref[...],
                     preferred_element_type=jnp.float32)
        hd2 = h2 * dis
        out_ref[...] = jnp.concatenate(
            [hd2, jnp.zeros((_BM, c_pad - c_out), jnp.float32)], axis=1)

    return pl.pallas_call(
        body,
        grid=(_GRID,),
        in_specs=[
            pl.BlockSpec((_NC, _BM, d), lambda i: (0, i, 0)),
            pl.BlockSpec((_BM, d), lambda i: (i, 0)),
            pl.BlockSpec((_BM, _DEG_D), lambda i: (i, 0)),
            pl.BlockSpec((1, d), lambda i: (0, 0)),
            pl.BlockSpec((d, c_out), lambda i: (0, 0)),
        ],
        out_specs=pl.BlockSpec((_BM, c_pad), lambda i: (i, 0)),
        out_shape=jax.ShapeDtypeStruct((_N, c_pad), jnp.float32),
    )(p1, hd1, dis16, b1, W2)


def _tc_out(p2, hd2p, dis16, b2):
    c_pad = hd2p.shape[1]
    c_out = b2.shape[1]

    def body(p_ref, hd_ref, dis_ref, b_ref, out_ref):
        dis = dis_ref[:, 0:1]
        agg = (p_ref[0] + p_ref[1] + hd_ref[...])[:, :c_out]
        z = agg * dis + b_ref[...]
        m = jnp.max(z, axis=1, keepdims=True)
        ez = jnp.exp(z - m)
        lse = jnp.log(jnp.sum(ez, axis=1, keepdims=True))
        out_ref[...] = z - m - lse

    return pl.pallas_call(
        body,
        grid=(_GRID,),
        in_specs=[
            pl.BlockSpec((_NC, _BM, c_pad), lambda i: (0, i, 0)),
            pl.BlockSpec((_BM, c_pad), lambda i: (i, 0)),
            pl.BlockSpec((_BM, _DEG_D), lambda i: (i, 0)),
            pl.BlockSpec((1, c_out), lambda i: (0, 0)),
        ],
        out_specs=pl.BlockSpec((_BM, c_out), lambda i: (i, 0)),
        out_shape=jax.ShapeDtypeStruct((_N, c_out), jnp.float32),
    )(p2, hd2p, dis16, b2)


def kernel(x, edge_index, W1, b1, W2, b2):
    edge4 = edge_index.reshape(2, _NW, _NCH, _K)

    degp = _sc_degree(edge4)
    hd1, dis16 = _tc_mm1(x, W1, degp)
    p1 = _sc_segsum(hd1, edge4, x.shape[1])
    c_pad = 48
    hd2p = _tc_mid(p1, hd1, dis16, b1.reshape(1, -1), W2, c_pad)
    p2 = _sc_segsum(hd2p, edge4, c_pad)
    return _tc_out(p2, hd2p, dis16, b2.reshape(1, -1))

# --- scband reference (transcript-rebuilt; emitter-appended) ---
"""Pipeline reference for scband-gcn-64836826300768 (READ-ONLY COPY).

The authoritative reference and input builder live on the scoring server;
editing this copy changes nothing except your own understanding.
"""

import jax, jax.numpy as jnp
import numpy as np

N, E, D, H, C = 10000, 320000, 128, 128, 40


def gcn_conv(x, edge_index, W, b):
    n = x.shape[0]
    loop = jnp.arange(n, dtype=edge_index.dtype)
    src = jnp.concatenate([edge_index[0], loop])
    dst = jnp.concatenate([edge_index[1], loop])
    deg = jnp.zeros((n,), dtype=x.dtype).at[dst].add(1.0)
    dis = jnp.where(deg > 0, jax.lax.rsqrt(jnp.maximum(deg, 1e-12)), 0.0)
    norm = dis[src] * dis[dst]
    h = x @ W
    msg = h[src] * norm[:, None]
    out = jnp.zeros((n, W.shape[1]), dtype=x.dtype).at[dst].add(msg)
    return out + b


def setup_inputs(seed: int = 0):
    key = jax.random.key(seed)
    k1, k2, k3, k4, k5, k6 = jax.random.split(key, 6)
    x = jax.random.normal(k1, (N, D), dtype=jnp.float32)
    edge_index = jax.random.randint(k2, (2, E), 0, N, dtype=jnp.int32)
    W1 = jax.random.normal(k3, (D, H), dtype=jnp.float32) * (1.0 / np.sqrt(D))
    b1 = jnp.zeros((H,), dtype=jnp.float32)
    W2 = jax.random.normal(k4, (H, C), dtype=jnp.float32) * (1.0 / np.sqrt(H))
    b2 = jnp.zeros((C,), dtype=jnp.float32)
    return {"x": x, "edge_index": edge_index, "W1": W1, "b1": b1, "W2": W2, "b2": b2}


def reference(x, edge_index, W1, b1, W2, b2):
    h = gcn_conv(x, edge_index, W1, b1)
    h = jax.nn.relu(h)
    h = gcn_conv(h, edge_index, W2, b2)
    return jax.nn.log_softmax(h, axis=1)

if __name__ == "__main__":
    import jax
    _d = setup_inputs()
    print(jax.jit(kernel)(*tuple(_d.values())))

</pallas_src>

<mosaic_0001>
#map = affine_map<(d0, d1) -> (0, 0)>
#map1 = affine_map<(d0, d1) -> (0, 0, 0, 0)>
#map2 = affine_map<(d0, d1) -> (0, 0, 0)>
module attributes {stable_mosaic.version = 14 : i64} {
  func.func @k(%arg0: i32, %arg1: i32, %arg2: memref<10000x48xf32, #tpu.memory_space<hbm>>, %arg3: memref<2x32x100x100xi32, #tpu.memory_space<hbm>>, %arg4: memref<2x10000x48xf32, #tpu.memory_space<hbm>>, %arg5: memref<100x100xi32, #tpu.memory_space<vmem>>, %arg6: memref<100x100xi32, #tpu.memory_space<vmem>>, %arg7: memref<100x48xf32, #tpu.memory_space<vmem>>, %arg8: memref<100x48xf32, #tpu.memory_space<vmem>>, %arg9: memref<25x48xf32, #tpu.memory_space<vmem>>, %arg10: memref<10000x48xf32, #tpu.memory_space<vmem_shared>>, %arg11: memref<!tpu.dma_semaphore, #tpu.memory_space<semaphore_mem>>, %arg12: memref<!tpu.dma_semaphore, #tpu.memory_space<semaphore_mem>>) attributes {dimension_semantics = [#tpu.dimension_semantics<core_parallel>, #tpu.dimension_semantics<subcore_parallel>], iteration_bounds = array<i64: 2, 16>, scalar_prefetch = 0 : i64, scratch_operands = 8 : i64, tpu.core_type = #tpu.core_type<sc_vector_subcore>, window_params = [{transform_indices = #map}, {transform_indices = #map1}, {transform_indices = #map2}]} {
    %mul3A = arith.constant 16 : i32
    %mul3A_0 = arith.muli %arg0, %mul3A : i32
    %add3A = arith.addi %mul3A_0, %arg1 : i32
    %broadcast_in_dim3A = arith.constant 0.000000e+00 : f32
    %broadcast_in_dim3A_1 = vector.broadcast %broadcast_in_dim3A : f32 to vector<16xf32>
    %scan3A = arith.constant 0 : i32
    %scan3A_2 = arith.constant 0 : i32
    %scan3A_3 = arith.constant 25 : i32
    %scan3A_4 = arith.addi %scan3A_2, %scan3A_3 : i32
    %scan3A_5 = arith.constant 1 : i32
    %scan3A_6 = scf.for %scan3A_32 = %scan3A_2 to %scan3A_4 step %scan3A_5 iter_args(%scan3A_33 = %scan3A) -> (i32)  : i32 {
      %swap3A = arith.index_cast %scan3A_32 : i32 to index
      %swap3A_34 = arith.constant 0 : index
      %swap3A_35 = tpu.vector_load %arg9[%swap3A, %swap3A_34] {strides = array<i32>} : memref<25x48xf32, #tpu.memory_space<vmem>>, vector<1x16xf32>,
      %swap3A_36 = vector.shape_cast %swap3A_35 : vector<1x16xf32> to vector<16xf32>
      %swap3A_37 = vector.shape_cast %broadcast_in_dim3A_1 : vector<16xf32> to vector<1x16xf32>
      tpu.vector_store %arg9[%swap3A, %swap3A_34], %swap3A_37 {strides = array<i32>} : memref<25x48xf32, #tpu.memory_space<vmem>>, vector<1x16xf32>,
      %swap3A_38 = arith.index_cast %scan3A_32 : i32 to index
      %swap3A_39 = arith.constant 16 : index
      %swap3A_40 = tpu.vector_load %arg9[%swap3A_38, %swap3A_39] {strides = array<i32>} : memref<25x48xf32, #tpu.memory_space<vmem>>, vector<1x16xf32>,
      %swap3A_41 = vector.shape_cast %swap3A_40 : vector<1x16xf32> to vector<16xf32>
      %swap3A_42 = vector.shape_cast %broadcast_in_dim3A_1 : vector<16xf32> to vector<1x16xf32>
      tpu.vector_store %arg9[%swap3A_38, %swap3A_39], %swap3A_42 {strides = array<i32>} : memref<25x48xf32, #tpu.memory_space<vmem>>, vector<1x16xf32>,
      %swap3A_43 = arith.index_cast %scan3A_32 : i32 to index
      %swap3A_44 = arith.constant 32 : index
      %swap3A_45 = tpu.vector_load %arg9[%swap3A_43, %swap3A_44] {strides = array<i32>} : memref<25x48xf32, #tpu.memory_space<vmem>>, vector<1x16xf32>,
      %swap3A_46 = vector.shape_cast %swap3A_45 : vector<1x16xf32> to vector<16xf32>
      %swap3A_47 = vector.shape_cast %broadcast_in_dim3A_1 : vector<16xf32> to vector<1x16xf32>
      tpu.vector_store %arg9[%swap3A_43, %swap3A_44], %swap3A_47 {strides = array<i32>} : memref<25x48xf32, #tpu.memory_space<vmem>>, vector<1x16xf32>,
      %scan3A_48 = arith.constant 0 : i32
      scf.yield %scan3A_48 : i32
    }
    %scan3A_7 = arith.constant 25 : i32
    %mul3A_8 = arith.constant 625 : i32
    %mul3A_9 = arith.muli %arg1, %mul3A_8 : i32
    %scan3A_10 = arith.constant 0 : i32
    %scan3A_11 = arith.constant 0 : i32
    %scan3A_12 = arith.constant 25 : i32
    %scan3A_13 = arith.addi %scan3A_11, %scan3A_12 : i32
    %scan3A_14 = arith.constant 1 : i32
    %scan3A_15 = scf.for %scan3A_32 = %scan3A_11 to %scan3A_13 step %scan3A_14 iter_args(%scan3A_33 = %scan3A_10) -> (i32)  : i32 {
      %mul3A_34 = arith.constant 25 : i32
      %mul3A_35 = arith.muli %scan3A_32, %mul3A_34 : i32
      %add3A_36 = arith.addi %mul3A_9, %mul3A_35 : i32
      "tpu.region"() ({
        %run_scoped3A_38 = tpu.sem_alloc : memref<!tpu.dma_semaphore, #tpu.memory_space<semaphore_mem>>
        %dma_start3A_39 = arith.constant 0 : i32
        %dma_start3A_40 = tpu.memref_slice %arg10[%add3A_36, %dma_start3A_39] : memref<10000x48xf32, #tpu.memory_space<vmem_shared>> -> memref<25x48xf32, #tpu.memory_space<vmem_shared>>
        %dma_start3A_41 = arith.constant 0 : i32
        %dma_start3A_42 = tpu.memref_slice %arg10[%add3A_36, %dma_start3A_41] : memref<10000x48xf32, #tpu.memory_space<vmem_shared>> -> memref<25x48xf32, #tpu.memory_space<vmem_shared>>
        tpu.enqueue_dma source(%arg9 : memref<25x48xf32, #tpu.memory_space<vmem>>) target(%dma_start3A_42 : memref<25x48xf32, #tpu.memory_space<vmem_shared>>) target_semaphore(%run_scoped3A_38 : memref<!tpu.dma_semaphore, #tpu.memory_space<semaphore_mem>>)
        %dma_wait3A = arith.constant 0 : i32
        %dma_wait3A_43 = tpu.memref_slice %arg10[%add3A_36, %dma_wait3A] : memref<10000x48xf32, #tpu.memory_space<vmem_shared>> -> memref<25x48xf32, #tpu.memory_space<vmem_shared>>
        %dma_wait3A_44 = arith.constant 0 : i32
        %dma_wait3A_45 = tpu.memref_slice %arg10[%add3A_36, %dma_wait3A_44] : memref<10000x48xf32, #tpu.memory_space<vmem_shared>> -> memref<25x48xf32, #tpu.memory_space<vmem_shared>>
        tpu.wait_dma2 semaphore(%run_scoped3A_38 : memref<!tpu.dma_semaphore, #tpu.memory_space<semaphore_mem>>) src(%arg9 : memref<25x48xf32, #tpu.memory_space<vmem>>) dst(%dma_wait3A_45 : memref<25x48xf32, #tpu.memory_space<vmem_shared>>)
        tpu.yield
      }) : () -> ()
      %scan3A_37 = arith.constant 0 : i32
      scf.yield %scan3A_37 : i32
    }
    %scan3A_16 = arith.constant 25 : i32
    %barrier3A = arith.constant 0 : index
    tpu.barrier barrier_id(%barrier3A)
    %run_scoped3A = arith.constant 0 : i32
    "tpu.region"() ({
      %run_scoped3A_32 = tpu.sem_alloc : memref<!tpu.dma_semaphore, #tpu.memory_space<semaphore_mem>>
      %dma_start3A_33 = arith.constant 0 : i32
      %dma_start3A_34 = arith.constant 0 : i32
      %dma_start3A_35 = tpu.memref_slice %arg3[%run_scoped3A, %add3A, %dma_start3A_33, %dma_start3A_34] : memref<2x32x100x100xi32, #tpu.memory_space<hbm>> -> memref<1x1x100x100xi32, #tpu.memory_space<hbm>>
      %dma_start3A_36 = tpu.memref_squeeze %dma_start3A_35 : memref<1x1x100x100xi32, #tpu.memory_space<hbm>> -> memref<100x100xi32, #tpu.memory_space<hbm>>
      %dma_start3A_37 = arith.constant 0 : i32
      %dma_start3A_38 = arith.constant 0 : i32
      %dma_start3A_39 = tpu.memref_slice %arg3[%run_scoped3A, %add3A, %dma_start3A_37, %dma_start3A_38] : memref<2x32x100x100xi32, #tpu.memory_space<hbm>> -> memref<1x1x100x100xi32, #tpu.memory_space<hbm>>
      %dma_start3A_40 = tpu.memref_squeeze %dma_start3A_39 : memref<1x1x100x100xi32, #tpu.memory_space<hbm>> -> memref<100x100xi32, #tpu.memory_space<hbm>>
      tpu.enqueue_dma source(%dma_start3A_40 : memref<100x100xi32, #tpu.memory_space<hbm>>) target(%arg5 : memref<100x100xi32, #tpu.memory_space<vmem>>) target_semaphore(%run_scoped3A_32 : memref<!tpu.dma_semaphore, #tpu.memory_space<semaphore_mem>>)
      %dma_wait3A = arith.constant 0 : i32
      %dma_wait3A_41 = arith.constant 0 : i32
      %dma_wait3A_42 = tpu.memref_slice %arg3[%run_scoped3A, %add3A, %dma_wait3A, %dma_wait3A_41] : memref<2x32x100x100xi32, #tpu.memory_space<hbm>> -> memref<1x1x100x100xi32, #tpu.memory_space<hbm>>
      %dma_wait3A_43 = tpu.memref_squeeze %dma_wait3A_42 : memref<1x1x100x100xi32, #tpu.memory_space<hbm>> -> memref<100x100xi32, #tpu.memory_space<hbm>>
      %dma_wait3A_44 = arith.constant 0 : i32
      %dma_wait3A_45 = arith.constant 0 : i32
      %dma_wait3A_46 = tpu.memref_slice %arg3[%run_scoped3A, %add3A, %dma_wait3A_44, %dma_wait3A_45] : memref<2x32x100x100xi32, #tpu.memory_space<hbm>> -> memref<1x1x100x100xi32, #tpu.memory_space<hbm>>
      %dma_wait3A_47 = tpu.memref_squeeze %dma_wait3A_46 : memref<1x1x100x100xi32, #tpu.memory_space<hbm>> -> memref<100x100xi32, #tpu.memory_space<hbm>>
      tpu.wait_dma2 semaphore(%run_scoped3A_32 : memref<!tpu.dma_semaphore, #tpu.memory_space<semaphore_mem>>) src(%dma_wait3A_47 : memref<100x100xi32, #tpu.memory_space<hbm>>) dst(%arg5 : memref<100x100xi32, #tpu.memory_space<vmem>>)
      tpu.yield
    }) : () -> ()
    %run_scoped3A_17 = arith.constant 1 : i32
    "tpu.region"() ({
      %run_scoped3A_32 = tpu.sem_alloc : memref<!tpu.dma_semaphore, #tpu.memory_space<semaphore_mem>>
      %dma_start3A_33 = arith.constant 0 : i32
      %dma_start3A_34 = arith.constant 0 : i32
      %dma_start3A_35 = tpu.memref_slice %arg3[%run_scoped3A_17, %add3A, %dma_start3A_33, %dma_start3A_34] : memref<2x32x100x100xi32, #tpu.memory_space<hbm>> -> memref<1x1x100x100xi32, #tpu.memory_space<hbm>>
      %dma_start3A_36 = tpu.memref_squeeze %dma_start3A_35 : memref<1x1x100x100xi32, #tpu.memory_space<hbm>> -> memref<100x100xi32, #tpu.memory_space<hbm>>
      %dma_start3A_37 = arith.constant 0 : i32
      %dma_start3A_38 = arith.constant 0 : i32
      %dma_start3A_39 = tpu.memref_slice %arg3[%run_scoped3A_17, %add3A, %dma_start3A_37, %dma_start3A_38] : memref<2x32x100x100xi32, #tpu.memory_space<hbm>> -> memref<1x1x100x100xi32, #tpu.memory_space<hbm>>
      %dma_start3A_40 = tpu.memref_squeeze %dma_start3A_39 : memref<1x1x100x100xi32, #tpu.memory_space<hbm>> -> memref<100x100xi32, #tpu.memory_space<hbm>>
      tpu.enqueue_dma source(%dma_start3A_40 : memref<100x100xi32, #tpu.memory_space<hbm>>) target(%arg6 : memref<100x100xi32, #tpu.memory_space<vmem>>) target_semaphore(%run_scoped3A_32 : memref<!tpu.dma_semaphore, #tpu.memory_space<semaphore_mem>>)
      %dma_wait3A = arith.constant 0 : i32
      %dma_wait3A_41 = arith.constant 0 : i32
      %dma_wait3A_42 = tpu.memref_slice %arg3[%run_scoped3A_17, %add3A, %dma_wait3A, %dma_wait3A_41] : memref<2x32x100x100xi32, #tpu.memory_space<hbm>> -> memref<1x1x100x100xi32, #tpu.memory_space<hbm>>
      %dma_wait3A_43 = tpu.memref_squeeze %dma_wait3A_42 : memref<1x1x100x100xi32, #tpu.memory_space<hbm>> -> memref<100x100xi32, #tpu.memory_space<hbm>>
      %dma_wait3A_44 = arith.constant 0 : i32
      %dma_wait3A_45 = arith.constant 0 : i32
      %dma_wait3A_46 = tpu.memref_slice %arg3[%run_scoped3A_17, %add3A, %dma_wait3A_44, %dma_wait3A_45] : memref<2x32x100x100xi32, #tpu.memory_space<hbm>> -> memref<1x1x100x100xi32, #tpu.memory_space<hbm>>
      %dma_wait3A_47 = tpu.memref_squeeze %dma_wait3A_46 : memref<1x1x100x100xi32, #tpu.memory_space<hbm>> -> memref<100x100xi32, #tpu.memory_space<hbm>>
      tpu.wait_dma2 semaphore(%run_scoped3A_32 : memref<!tpu.dma_semaphore, #tpu.memory_space<semaphore_mem>>) src(%dma_wait3A_47 : memref<100x100xi32, #tpu.memory_space<hbm>>) dst(%arg6 : memref<100x100xi32, #tpu.memory_space<vmem>>)
      tpu.yield
    }) : () -> ()
    %dma_start3A = arith.constant 0 : i32
    %dma_start3A_18 = arith.constant 0 : i32
    %dma_start3A_19 = tpu.memref_slice %arg5[%dma_start3A, %dma_start3A_18] : memref<100x100xi32, #tpu.memory_space<vmem>> -> memref<1x100xi32, #tpu.memory_space<vmem>>
    %dma_start3A_20 = tpu.memref_squeeze %dma_start3A_19 : memref<1x100xi32, #tpu.memory_space<vmem>> -> memref<100xi32, #tpu.memory_space<vmem>>
    %dma_start3A_21 = arith.constant 0 : i32
    %dma_start3A_22 = arith.constant 0 : i32
    %dma_start3A_23 = tpu.memref_slice %arg2[%dma_start3A_21, %dma_start3A_22] : memref<10000x48xf32, #tpu.memory_space<hbm>> -> memref<10000x48xf32, #tpu.memory_space<hbm>>
    tpu.enqueue_indirect_dma source(%dma_start3A_23 : memref<10000x48xf32, #tpu.memory_space<hbm>>) target(%arg7 : memref<100x48xf32, #tpu.memory_space<vmem>>) offsets(%dma_start3A_20 : memref<100xi32, #tpu.memory_space<vmem>>) semaphore(%arg11 : memref<!tpu.dma_semaphore, #tpu.memory_space<semaphore_mem>>)
    %scan3A_24 = arith.constant 0 : i32
    %scan3A_25 = arith.constant 0 : i32
    %scan3A_26 = arith.constant 50 : i32
    %scan3A_27 = arith.addi %scan3A_25, %scan3A_26 : i32
    %scan3A_28 = arith.constant 1 : i32
    %scan3A_29 = scf.for %scan3A_32 = %scan3A_25 to %scan3A_27 step %scan3A_28 iter_args(%scan3A_33 = %scan3A_24) -> (i32)  : i32 {
      %mul3A_34 = arith.constant 2 : i32
      %mul3A_35 = arith.muli %mul3A_34, %scan3A_32 : i32
      %add3A_36 = arith.constant 1 : i32
      %add3A_37 = arith.addi %mul3A_35, %add3A_36 : i32
      %dma_start3A_38 = arith.constant 0 : i32
      %dma_start3A_39 = tpu.memref_slice %arg5[%add3A_37, %dma_start3A_38] : memref<100x100xi32, #tpu.memory_space<vmem>> -> memref<1x100xi32, #tpu.memory_space<vmem>>
      %dma_start3A_40 = tpu.memref_squeeze %dma_start3A_39 : memref<1x100xi32, #tpu.memory_space<vmem>> -> memref<100xi32, #tpu.memory_space<vmem>>
      %dma_start3A_41 = arith.constant 0 : i32
      %dma_start3A_42 = arith.constant 0 : i32
      %dma_start3A_43 = tpu.memref_slice %arg2[%dma_start3A_41, %dma_start3A_42] : memref<10000x48xf32, #tpu.memory_space<hbm>> -> memref<10000x48xf32, #tpu.memory_space<hbm>>
      tpu.enqueue_indirect_dma source(%dma_start3A_43 : memref<10000x48xf32, #tpu.memory_space<hbm>>) target(%arg8 : memref<100x48xf32, #tpu.memory_space<vmem>>) offsets(%dma_start3A_40 : memref<100xi32, #tpu.memory_space<vmem>>) semaphore(%arg12 : memref<!tpu.dma_semaphore, #tpu.memory_space<semaphore_mem>>)
      %dma_wait3A = arith.constant 0 : i32
      %dma_wait3A_44 = tpu.memref_slice %arg5[%mul3A_35, %dma_wait3A] : memref<100x100xi32, #tpu.memory_space<vmem>> -> memref<1x100xi32, #tpu.memory_space<vmem>>
      %dma_wait3A_45 = tpu.memref_squeeze %dma_wait3A_44 : memref<1x100xi32, #tpu.memory_space<vmem>> -> memref<100xi32, #tpu.memory_space<vmem>>
      %dma_wait3A_46 = arith.constant 0 : i32
      %dma_wait3A_47 = arith.constant 0 : i32
      %dma_wait3A_48 = tpu.memref_slice %arg2[%dma_wait3A_46, %dma_wait3A_47] : memref<10000x48xf32, #tpu.memory_space<hbm>> -> memref<10000x48xf32, #tpu.memory_space<hbm>>
      tpu.wait_indirect_dma semaphore(%arg11 : memref<!tpu.dma_semaphore, #tpu.memory_space<semaphore_mem>>) src(%dma_wait3A_48 : memref<10000x48xf32, #tpu.memory_space<hbm>>) dst(%arg7 : memref<100x48xf32, #tpu.memory_space<vmem>>)
      "tpu.region"() ({
        %run_scoped3A_62 = tpu.sem_alloc : memref<!tpu.dma_semaphore, #tpu.memory_space<semaphore_mem>>
        %dma_start3A_63 = arith.constant 0 : i32
        %dma_start3A_64 = tpu.memref_slice %arg6[%mul3A_35, %dma_start3A_63] : memref<100x100xi32, #tpu.memory_space<vmem>> -> memref<1x100xi32, #tpu.memory_space<vmem>>
        %dma_start3A_65 = tpu.memref_squeeze %dma_start3A_64 : memref<1x100xi32, #tpu.memory_space<vmem>> -> memref<100xi32, #tpu.memory_space<vmem>>
        %dma_start3A_66 = arith.constant 0 : i32
        %dma_start3A_67 = arith.constant 0 : i32
        %dma_start3A_68 = tpu.memref_slice %arg10[%dma_start3A_66, %dma_start3A_67] : memref<10000x48xf32, #tpu.memory_space<vmem_shared>> -> memref<10000x48xf32, #tpu.memory_space<vmem_shared>>
        tpu.enqueue_indirect_dma source(%arg7 : memref<100x48xf32, #tpu.memory_space<vmem>>) target(%dma_start3A_68 : memref<10000x48xf32, #tpu.memory_space<vmem_shared>>) offsets(%dma_start3A_65 : memref<100xi32, #tpu.memory_space<vmem>>) semaphore(%run_scoped3A_62 : memref<!tpu.dma_semaphore, #tpu.memory_space<semaphore_mem>>) {add = true}
        %dma_wait3A_69 = arith.constant 0 : i32
        %dma_wait3A_70 = tpu.memref_slice %arg6[%mul3A_35, %dma_wait3A_69] : memref<100x100xi32, #tpu.memory_space<vmem>> -> memref<1x100xi32, #tpu.memory_space<vmem>>
        %dma_wait3A_71 = tpu.memref_squeeze %dma_wait3A_70 : memref<1x100xi32, #tpu.memory_space<vmem>> -> memref<100xi32, #tpu.memory_space<vmem>>
        %dma_wait3A_72 = arith.constant 0 : i32
        %dma_wait3A_73 = arith.constant 0 : i32
        %dma_wait3A_74 = tpu.memref_slice %arg10[%dma_wait3A_72, %dma_wait3A_73] : memref<10000x48xf32, #tpu.memory_space<vmem_shared>> -> memref<10000x48xf32, #tpu.memory_space<vmem_shared>>
        tpu.wait_indirect_dma semaphore(%run_scoped3A_62 : memref<!tpu.dma_semaphore, #tpu.memory_space<semaphore_mem>>) src(%arg7 : memref<100x48xf32, #tpu.memory_space<vmem>>) dst(%dma_wait3A_74 : memref<10000x48xf32, #tpu.memory_space<vmem_shared>>)
        tpu.yield
      }) : () -> ()
      %lt3A = arith.constant 49 : i32
      %lt3A_49 = arith.cmpi slt, %scan3A_32, %lt3A : i32
      %convert_element_type3A = arith.extui %lt3A_49 : i1 to i32
      %cond3A = arith.constant 0 : i32
      %cond3A_50 = arith.cmpi ne, %convert_element_type3A, %cond3A : i32
      scf.if %cond3A_50 {
        %add3A_62 = arith.constant 2 : i32
        %add3A_63 = arith.addi %mul3A_35, %add3A_62 : i32
        %dma_start3A_64 = arith.constant 0 : i32
        %dma_start3A_65 = tpu.memref_slice %arg5[%add3A_63, %dma_start3A_64] : memref<100x100xi32, #tpu.memory_space<vmem>> -> memref<1x100xi32, #tpu.memory_space<vmem>>
        %dma_start3A_66 = tpu.memref_squeeze %dma_start3A_65 : memref<1x100xi32, #tpu.memory_space<vmem>> -> memref<100xi32, #tpu.memory_space<vmem>>
        %dma_start3A_67 = arith.constant 0 : i32
        %dma_start3A_68 = arith.constant 0 : i32
        %dma_start3A_69 = tpu.memref_slice %arg2[%dma_start3A_67, %dma_start3A_68] : memref<10000x48xf32, #tpu.memory_space<hbm>> -> memref<10000x48xf32, #tpu.memory_space<hbm>>
        tpu.enqueue_indirect_dma source(%dma_start3A_69 : memref<10000x48xf32, #tpu.memory_space<hbm>>) target(%arg7 : memref<100x48xf32, #tpu.memory_space<vmem>>) offsets(%dma_start3A_66 : memref<100xi32, #tpu.memory_space<vmem>>) semaphore(%arg11 : memref<!tpu.dma_semaphore, #tpu.memory_space<semaphore_mem>>)
      } else {
      }
      %add3A_51 = arith.constant 1 : i32
      %add3A_52 = arith.addi %mul3A_35, %add3A_51 : i32
      %dma_wait3A_53 = arith.constant 0 : i32
      %dma_wait3A_54 = tpu.memref_slice %arg5[%add3A_52, %dma_wait3A_53] : memref<100x100xi32, #tpu.memory_space<vmem>> -> memref<1x100xi32, #tpu.memory_space<vmem>>
      %dma_wait3A_55 = tpu.memref_squeeze %dma_wait3A_54 : memref<1x100xi32, #tpu.memory_space<vmem>> -> memref<100xi32, #tpu.memory_space<vmem>>
      %dma_wait3A_56 = arith.constant 0 : i32
      %dma_wait3A_57 = arith.constant 0 : i32
      %dma_wait3A_58 = tpu.memref_slice %arg2[%dma_wait3A_56, %dma_wait3A_57] : memref<10000x48xf32, #tpu.memory_space<hbm>> -> memref<10000x48xf32, #tpu.memory_space<hbm>>
      tpu.wait_indirect_dma semaphore(%arg12 : memref<!tpu.dma_semaphore, #tpu.memory_space<semaphore_mem>>) src(%dma_wait3A_58 : memref<10000x48xf32, #tpu.memory_space<hbm>>) dst(%arg8 : memref<100x48xf32, #tpu.memory_space<vmem>>)
      %add3A_59 = arith.constant 1 : i32
      %add3A_60 = arith.addi %mul3A_35, %add3A_59 : i32
      "tpu.region"() ({
        %run_scoped3A_62 = tpu.sem_alloc : memref<!tpu.dma_semaphore, #tpu.memory_space<semaphore_mem>>
        %dma_start3A_63 = arith.constant 0 : i32
        %dma_start3A_64 = tpu.memref_slice %arg6[%add3A_60, %dma_start3A_63] : memref<100x100xi32, #tpu.memory_space<vmem>> -> memref<1x100xi32, #tpu.memory_space<vmem>>
        %dma_start3A_65 = tpu.memref_squeeze %dma_start3A_64 : memref<1x100xi32, #tpu.memory_space<vmem>> -> memref<100xi32, #tpu.memory_space<vmem>>
        %dma_start3A_66 = arith.constant 0 : i32
        %dma_start3A_67 = arith.constant 0 : i32
        %dma_start3A_68 = tpu.memref_slice %arg10[%dma_start3A_66, %dma_start3A_67] : memref<10000x48xf32, #tpu.memory_space<vmem_shared>> -> memref<10000x48xf32, #tpu.memory_space<vmem_shared>>
        tpu.enqueue_indirect_dma source(%arg8 : memref<100x48xf32, #tpu.memory_space<vmem>>) target(%dma_start3A_68 : memref<10000x48xf32, #tpu.memory_space<vmem_shared>>) offsets(%dma_start3A_65 : memref<100xi32, #tpu.memory_space<vmem>>) semaphore(%run_scoped3A_62 : memref<!tpu.dma_semaphore, #tpu.memory_space<semaphore_mem>>) {add = true}
        %dma_wait3A_69 = arith.constant 0 : i32
        %dma_wait3A_70 = tpu.memref_slice %arg6[%add3A_60, %dma_wait3A_69] : memref<100x100xi32, #tpu.memory_space<vmem>> -> memref<1x100xi32, #tpu.memory_space<vmem>>
        %dma_wait3A_71 = tpu.memref_squeeze %dma_wait3A_70 : memref<1x100xi32, #tpu.memory_space<vmem>> -> memref<100xi32, #tpu.memory_space<vmem>>
        %dma_wait3A_72 = arith.constant 0 : i32
        %dma_wait3A_73 = arith.constant 0 : i32
        %dma_wait3A_74 = tpu.memref_slice %arg10[%dma_wait3A_72, %dma_wait3A_73] : memref<10000x48xf32, #tpu.memory_space<vmem_shared>> -> memref<10000x48xf32, #tpu.memory_space<vmem_shared>>
        tpu.wait_indirect_dma semaphore(%run_scoped3A_62 : memref<!tpu.dma_semaphore, #tpu.memory_space<semaphore_mem>>) src(%arg8 : memref<100x48xf32, #tpu.memory_space<vmem>>) dst(%dma_wait3A_74 : memref<10000x48xf32, #tpu.memory_space<vmem_shared>>)
        tpu.yield
      }) : () -> ()
      %scan3A_61 = arith.constant 0 : i32
      scf.yield %scan3A_61 : i32
    }
    %scan3A_30 = arith.constant 50 : i32
    %barrier3A_31 = arith.constant 0 : index
    tpu.barrier barrier_id(%barrier3A_31)
    "tpu.region"() ({
      %run_scoped3A_32 = tpu.sem_alloc : memref<!tpu.dma_semaphore, #tpu.memory_space<semaphore_mem>>
      %dma_start3A_33 = arith.constant 0 : i32
      %dma_start3A_34 = tpu.memref_slice %arg4[%arg0, %mul3A_9, %dma_start3A_33] : memref<2x10000x48xf32, #tpu.memory_space<hbm>> -> memref<1x625x48xf32, #tpu.memory_space<hbm>>
      %dma_start3A_35 = tpu.memref_squeeze %dma_start3A_34 : memref<1x625x48xf32, #tpu.memory_space<hbm>> -> memref<625x48xf32, #tpu.memory_space<hbm>>
      %dma_start3A_36 = arith.constant 0 : i32
      %dma_start3A_37 = tpu.memref_slice %arg10[%mul3A_9, %dma_start3A_36] : memref<10000x48xf32, #tpu.memory_space<vmem_shared>> -> memref<625x48xf32, #tpu.memory_space<vmem_shared>>
      tpu.enqueue_dma source(%dma_start3A_37 : memref<625x48xf32, #tpu.memory_space<vmem_shared>>) target(%dma_start3A_35 : memref<625x48xf32, #tpu.memory_space<hbm>>) target_semaphore(%run_scoped3A_32 : memref<!tpu.dma_semaphore, #tpu.memory_space<semaphore_mem>>)
      %dma_wait3A = arith.constant 0 : i32
      %dma_wait3A_38 = tpu.memref_slice %arg4[%arg0, %mul3A_9, %dma_wait3A] : memref<2x10000x48xf32, #tpu.memory_space<hbm>> -> memref<1x625x48xf32, #tpu.memory_space<hbm>>
      %dma_wait3A_39 = tpu.memref_squeeze %dma_wait3A_38 : memref<1x625x48xf32, #tpu.memory_space<hbm>> -> memref<625x48xf32, #tpu.memory_space<hbm>>
      %dma_wait3A_40 = arith.constant 0 : i32
      %dma_wait3A_41 = tpu.memref_slice %arg10[%mul3A_9, %dma_wait3A_40] : memref<10000x48xf32, #tpu.memory_space<vmem_shared>> -> memref<625x48xf32, #tpu.memory_space<vmem_shared>>
      tpu.wait_dma2 semaphore(%run_scoped3A_32 : memref<!tpu.dma_semaphore, #tpu.memory_space<semaphore_mem>>) src(%dma_wait3A_41 : memref<625x48xf32, #tpu.memory_space<vmem_shared>>) dst(%dma_wait3A_39 : memref<625x48xf32, #tpu.memory_space<hbm>>)
      tpu.yield
    }) : () -> ()
    return
  }
}

#map = affine_map<(d0, d1) -> (0, 0)>
#map1 = affine_map<(d0, d1) -> (0, 0, 0, 0)>
#map2 = affine_map<(d0, d1) -> (0, 0, 0)>
module attributes {stable_mosaic.version = 14 : i64} {
  func.func @k(%arg0: i32, %arg1: i32, %arg2: memref<10000x128xf32, #tpu.memory_space<hbm>>, %arg3: memref<2x32x100x100xi32, #tpu.memory_space<hbm>>, %arg4: memref<2x10000x128xf32, #tpu.memory_space<hbm>>, %arg5: memref<100x100xi32, #tpu.memory_space<vmem>>, %arg6: memref<100x100xi32, #tpu.memory_space<vmem>>, %arg7: memref<100x128xf32, #tpu.memory_space<vmem>>, %arg8: memref<100x128xf32, #tpu.memory_space<vmem>>, %arg9: memref<25x128xf32, #tpu.memory_space<vmem>>, %arg10: memref<10000x128xf32, #tpu.memory_space<vmem_shared>>, %arg11: memref<!tpu.dma_semaphore, #tpu.memory_space<semaphore_mem>>, %arg12: memref<!tpu.dma_semaphore, #tpu.memory_space<semaphore_mem>>) attributes {dimension_semantics = [#tpu.dimension_semantics<core_parallel>, #tpu.dimension_semantics<subcore_parallel>], iteration_bounds = array<i64: 2, 16>, scalar_prefetch = 0 : i64, scratch_operands = 8 : i64, tpu.core_type = #tpu.core_type<sc_vector_subcore>, window_params = [{transform_indices = #map}, {transform_indices = #map1}, {transform_indices = #map2}]} {
    %mul3A = arith.constant 16 : i32
    %mul3A_0 = arith.muli %arg0, %mul3A : i32
    %add3A = arith.addi %mul3A_0, %arg1 : i32
    %broadcast_in_dim3A = arith.constant 0.000000e+00 : f32
    %broadcast_in_dim3A_1 = vector.broadcast %broadcast_in_dim3A : f32 to vector<16xf32>
    %scan3A = arith.constant 0 : i32
    %scan3A_2 = arith.constant 0 : i32
    %scan3A_3 = arith.constant 25 : i32
    %scan3A_4 = arith.addi %scan3A_2, %scan3A_3 : i32
    %scan3A_5 = arith.constant 1 : i32
    %scan3A_6 = scf.for %scan3A_32 = %scan3A_2 to %scan3A_4 step %scan3A_5 iter_args(%scan3A_33 = %scan3A) -> (i32)  : i32 {
      %swap3A = arith.index_cast %scan3A_32 : i32 to index
      %swap3A_34 = arith.constant 0 : index
      %swap3A_35 = tpu.vector_load %arg9[%swap3A, %swap3A_34] {strides = array<i32>} : memref<25x128xf32, #tpu.memory_space<vmem>>, vector<1x16xf32>,
      %swap3A_36 = vector.shape_cast %swap3A_35 : vector<1x16xf32> to vector<16xf32>
      %swap3A_37 = vector.shape_cast %broadcast_in_dim3A_1 : vector<16xf32> to vector<1x16xf32>
      tpu.vector_store %arg9[%swap3A, %swap3A_34], %swap3A_37 {strides = array<i32>} : memref<25x128xf32, #tpu.memory_space<vmem>>, vector<1x16xf32>,
      %swap3A_38 = arith.index_cast %scan3A_32 : i32 to index
      %swap3A_39 = arith.constant 16 : index
      %swap3A_40 = tpu.vector_load %arg9[%swap3A_38, %swap3A_39] {strides = array<i32>} : memref<25x128xf32, #tpu.memory_space<vmem>>, vector<1x16xf32>,
      %swap3A_41 = vector.shape_cast %swap3A_40 : vector<1x16xf32> to vector<16xf32>
      %swap3A_42 = vector.shape_cast %broadcast_in_dim3A_1 : vector<16xf32> to vector<1x16xf32>
      tpu.vector_store %arg9[%swap3A_38, %swap3A_39], %swap3A_42 {strides = array<i32>} : memref<25x128xf32, #tpu.memory_space<vmem>>, vector<1x16xf32>,
      %swap3A_43 = arith.index_cast %scan3A_32 : i32 to index
      %swap3A_44 = arith.constant 32 : index
      %swap3A_45 = tpu.vector_load %arg9[%swap3A_43, %swap3A_44] {strides = array<i32>} : memref<25x128xf32, #tpu.memory_space<vmem>>, vector<1x16xf32>,
      %swap3A_46 = vector.shape_cast %swap3A_45 : vector<1x16xf32> to vector<16xf32>
      %swap3A_47 = vector.shape_cast %broadcast_in_dim3A_1 : vector<16xf32> to vector<1x16xf32>
      tpu.vector_store %arg9[%swap3A_43, %swap3A_44], %swap3A_47 {strides = array<i32>} : memref<25x128xf32, #tpu.memory_space<vmem>>, vector<1x16xf32>,
      %swap3A_48 = arith.index_cast %scan3A_32 : i32 to index
      %swap3A_49 = arith.constant 48 : index
      %swap3A_50 = tpu.vector_load %arg9[%swap3A_48, %swap3A_49] {strides = array<i32>} : memref<25x128xf32, #tpu.memory_space<vmem>>, vector<1x16xf32>,
      %swap3A_51 = vector.shape_cast %swap3A_50 : vector<1x16xf32> to vector<16xf32>
      %swap3A_52 = vector.shape_cast %broadcast_in_dim3A_1 : vector<16xf32> to vector<1x16xf32>
      tpu.vector_store %arg9[%swap3A_48, %swap3A_49], %swap3A_52 {strides = array<i32>} : memref<25x128xf32, #tpu.memory_space<vmem>>, vector<1x16xf32>,
      %swap3A_53 = arith.index_cast %scan3A_32 : i32 to index
      %swap3A_54 = arith.constant 64 : index
      %swap3A_55 = tpu.vector_load %arg9[%swap3A_53, %swap3A_54] {strides = array<i32>} : memref<25x128xf32, #tpu.memory_space<vmem>>, vector<1x16xf32>,
      %swap3A_56 = vector.shape_cast %swap3A_55 : vector<1x16xf32> to vector<16xf32>
      %swap3A_57 = vector.shape_cast %broadcast_in_dim3A_1 : vector<16xf32> to vector<1x16xf32>
      tpu.vector_store %arg9[%swap3A_53, %swap3A_54], %swap3A_57 {strides = array<i32>} : memref<25x128xf32, #tpu.memory_space<vmem>>, vector<1x16xf32>,
      %swap3A_58 = arith.index_cast %scan3A_32 : i32 to index
      %swap3A_59 = arith.constant 80 : index
      %swap3A_60 = tpu.vector_load %arg9[%swap3A_58, %swap3A_59] {strides = array<i32>} : memref<25x128xf32, #tpu.memory_space<vmem>>, vector<1x16xf32>,
      %swap3A_61 = vector.shape_cast %swap3A_60 : vector<1x16xf32> to vector<16xf32>
      %swap3A_62 = vector.shape_cast %broadcast_in_dim3A_1 : vector<16xf32> to vector<1x16xf32>
      tpu.vector_store %arg9[%swap3A_58, %swap3A_59], %swap3A_62 {strides = array<i32>} : memref<25x128xf32, #tpu.memory_space<vmem>>, vector<1x16xf32>,
      %swap3A_63 = arith.index_cast %scan3A_32 : i32 to index
      %swap3A_64 = arith.constant 96 : index
      %swap3A_65 = tpu.vector_load %arg9[%swap3A_63, %swap3A_64] {strides = array<i32>} : memref<25x128xf32, #tpu.memory_space<vmem>>, vector<1x16xf32>,
      %swap3A_66 = vector.shape_cast %swap3A_65 : vector<1x16xf32> to vector<16xf32>
      %swap3A_67 = vector.shape_cast %broadcast_in_dim3A_1 : vector<16xf32> to vector<1x16xf32>
      tpu.vector_store %arg9[%swap3A_63, %swap3A_64], %swap3A_67 {strides = array<i32>} : memref<25x128xf32, #tpu.memory_space<vmem>>, vector<1x16xf32>,
      %swap3A_68 = arith.index_cast %scan3A_32 : i32 to index
      %swap3A_69 = arith.constant 112 : index
      %swap3A_70 = tpu.vector_load %arg9[%swap3A_68, %swap3A_69] {strides = array<i32>} : memref<25x128xf32, #tpu.memory_space<vmem>>, vector<1x16xf32>,
      %swap3A_71 = vector.shape_cast %swap3A_70 : vector<1x16xf32> to vector<16xf32>
      %swap3A_72 = vector.shape_cast %broadcast_in_dim3A_1 : vector<16xf32> to vector<1x16xf32>
      tpu.vector_store %arg9[%swap3A_68, %swap3A_69], %swap3A_72 {strides = array<i32>} : memref<25x128xf32, #tpu.memory_space<vmem>>, vector<1x16xf32>,
      %scan3A_73 = arith.constant 0 : i32
      scf.yield %scan3A_73 : i32
    }
    %scan3A_7 = arith.constant 25 : i32
    %mul3A_8 = arith.constant 625 : i32
    %mul3A_9 = arith.muli %arg1, %mul3A_8 : i32
    %scan3A_10 = arith.constant 0 : i32
    %scan3A_11 = arith.constant 0 : i32
    %scan3A_12 = arith.constant 25 : i32
    %scan3A_13 = arith.addi %scan3A_11, %scan3A_12 : i32
    %scan3A_14 = arith.constant 1 : i32
    %scan3A_15 = scf.for %scan3A_32 = %scan3A_11 to %scan3A_13 step %scan3A_14 iter_args(%scan3A_33 = %scan3A_10) -> (i32)  : i32 {
      %mul3A_34 = arith.constant 25 : i32
      %mul3A_35 = arith.muli %scan3A_32, %mul3A_34 : i32
      %add3A_36 = arith.addi %mul3A_9, %mul3A_35 : i32
      "tpu.region"() ({
        %run_scoped3A_38 = tpu.sem_alloc : memref<!tpu.dma_semaphore, #tpu.memory_space<semaphore_mem>>
        %dma_start3A_39 = arith.constant 0 : i32
        %dma_start3A_40 = tpu.memref_slice %arg10[%add3A_36, %dma_start3A_39] : memref<10000x128xf32, #tpu.memory_space<vmem_shared>> -> memref<25x128xf32, #tpu.memory_space<vmem_shared>>
        %dma_start3A_41 = arith.constant 0 : i32
        %dma_start3A_42 = tpu.memref_slice %arg10[%add3A_36, %dma_start3A_41] : memref<10000x128xf32, #tpu.memory_space<vmem_shared>> -> memref<25x128xf32, #tpu.memory_space<vmem_shared>>
        tpu.enqueue_dma source(%arg9 : memref<25x128xf32, #tpu.memory_space<vmem>>) target(%dma_start3A_42 : memref<25x128xf32, #tpu.memory_space<vmem_shared>>) target_semaphore(%run_scoped3A_38 : memref<!tpu.dma_semaphore, #tpu.memory_space<semaphore_mem>>)
        %dma_wait3A = arith.constant 0 : i32
        %dma_wait3A_43 = tpu.memref_slice %arg10[%add3A_36, %dma_wait3A] : memref<10000x128xf32, #tpu.memory_space<vmem_shared>> -> memref<25x128xf32, #tpu.memory_space<vmem_shared>>
        %dma_wait3A_44 = arith.constant 0 : i32
        %dma_wait3A_45 = tpu.memref_slice %arg10[%add3A_36, %dma_wait3A_44] : memref<10000x128xf32, #tpu.memory_space<vmem_shared>> -> memref<25x128xf32, #tpu.memory_space<vmem_shared>>
        tpu.wait_dma2 semaphore(%run_scoped3A_38 : memref<!tpu.dma_semaphore, #tpu.memory_space<semaphore_mem>>) src(%arg9 : memref<25x128xf32, #tpu.memory_space<vmem>>) dst(%dma_wait3A_45 : memref<25x128xf32, #tpu.memory_space<vmem_shared>>)
        tpu.yield
      }) : () -> ()
      %scan3A_37 = arith.constant 0 : i32
      scf.yield %scan3A_37 : i32
    }
    %scan3A_16 = arith.constant 25 : i32
    %barrier3A = arith.constant 0 : index
    tpu.barrier barrier_id(%barrier3A)
    %run_scoped3A = arith.constant 0 : i32
    "tpu.region"() ({
      %run_scoped3A_32 = tpu.sem_alloc : memref<!tpu.dma_semaphore, #tpu.memory_space<semaphore_mem>>
      %dma_start3A_33 = arith.constant 0 : i32
      %dma_start3A_34 = arith.constant 0 : i32
      %dma_start3A_35 = tpu.memref_slice %arg3[%run_scoped3A, %add3A, %dma_start3A_33, %dma_start3A_34] : memref<2x32x100x100xi32, #tpu.memory_space<hbm>> -> memref<1x1x100x100xi32, #tpu.memory_space<hbm>>
      %dma_start3A_36 = tpu.memref_squeeze %dma_start3A_35 : memref<1x1x100x100xi32, #tpu.memory_space<hbm>> -> memref<100x100xi32, #tpu.memory_space<hbm>>
      %dma_start3A_37 = arith.constant 0 : i32
      %dma_start3A_38 = arith.constant 0 : i32
      %dma_start3A_39 = tpu.memref_slice %arg3[%run_scoped3A, %add3A, %dma_start3A_37, %dma_start3A_38] : memref<2x32x100x100xi32, #tpu.memory_space<hbm>> -> memref<1x1x100x100xi32, #tpu.memory_space<hbm>>
      %dma_start3A_40 = tpu.memref_squeeze %dma_start3A_39 : memref<1x1x100x100xi32, #tpu.memory_space<hbm>> -> memref<100x100xi32, #tpu.memory_space<hbm>>
      tpu.enqueue_dma source(%dma_start3A_40 : memref<100x100xi32, #tpu.memory_space<hbm>>) target(%arg5 : memref<100x100xi32, #tpu.memory_space<vmem>>) target_semaphore(%run_scoped3A_32 : memref<!tpu.dma_semaphore, #tpu.memory_space<semaphore_mem>>)
      %dma_wait3A = arith.constant 0 : i32
      %dma_wait3A_41 = arith.constant 0 : i32
      %dma_wait3A_42 = tpu.memref_slice %arg3[%run_scoped3A, %add3A, %dma_wait3A, %dma_wait3A_41] : memref<2x32x100x100xi32, #tpu.memory_space<hbm>> -> memref<1x1x100x100xi32, #tpu.memory_space<hbm>>
      %dma_wait3A_43 = tpu.memref_squeeze %dma_wait3A_42 : memref<1x1x100x100xi32, #tpu.memory_space<hbm>> -> memref<100x100xi32, #tpu.memory_space<hbm>>
      %dma_wait3A_44 = arith.constant 0 : i32
      %dma_wait3A_45 = arith.constant 0 : i32
      %dma_wait3A_46 = tpu.memref_slice %arg3[%run_scoped3A, %add3A, %dma_wait3A_44, %dma_wait3A_45] : memref<2x32x100x100xi32, #tpu.memory_space<hbm>> -> memref<1x1x100x100xi32, #tpu.memory_space<hbm>>
      %dma_wait3A_47 = tpu.memref_squeeze %dma_wait3A_46 : memref<1x1x100x100xi32, #tpu.memory_space<hbm>> -> memref<100x100xi32, #tpu.memory_space<hbm>>
      tpu.wait_dma2 semaphore(%run_scoped3A_32 : memref<!tpu.dma_semaphore, #tpu.memory_space<semaphore_mem>>) src(%dma_wait3A_47 : memref<100x100xi32, #tpu.memory_space<hbm>>) dst(%arg5 : memref<100x100xi32, #tpu.memory_space<vmem>>)
      tpu.yield
    }) : () -> ()
    %run_scoped3A_17 = arith.constant 1 : i32
    "tpu.region"() ({
      %run_scoped3A_32 = tpu.sem_alloc : memref<!tpu.dma_semaphore, #tpu.memory_space<semaphore_mem>>
      %dma_start3A_33 = arith.constant 0 : i32
      %dma_start3A_34 = arith.constant 0 : i32
      %dma_start3A_35 = tpu.memref_slice %arg3[%run_scoped3A_17, %add3A, %dma_start3A_33, %dma_start3A_34] : memref<2x32x100x100xi32, #tpu.memory_space<hbm>> -> memref<1x1x100x100xi32, #tpu.memory_space<hbm>>
      %dma_start3A_36 = tpu.memref_squeeze %dma_start3A_35 : memref<1x1x100x100xi32, #tpu.memory_space<hbm>> -> memref<100x100xi32, #tpu.memory_space<hbm>>
      %dma_start3A_37 = arith.constant 0 : i32
      %dma_start3A_38 = arith.constant 0 : i32
      %dma_start3A_39 = tpu.memref_slice %arg3[%run_scoped3A_17, %add3A, %dma_start3A_37, %dma_start3A_38] : memref<2x32x100x100xi32, #tpu.memory_space<hbm>> -> memref<1x1x100x100xi32, #tpu.memory_space<hbm>>
      %dma_start3A_40 = tpu.memref_squeeze %dma_start3A_39 : memref<1x1x100x100xi32, #tpu.memory_space<hbm>> -> memref<100x100xi32, #tpu.memory_space<hbm>>
      tpu.enqueue_dma source(%dma_start3A_40 : memref<100x100xi32, #tpu.memory_space<hbm>>) target(%arg6 : memref<100x100xi32, #tpu.memory_space<vmem>>) target_semaphore(%run_scoped3A_32 : memref<!tpu.dma_semaphore, #tpu.memory_space<semaphore_mem>>)
      %dma_wait3A = arith.constant 0 : i32
      %dma_wait3A_41 = arith.constant 0 : i32
      %dma_wait3A_42 = tpu.memref_slice %arg3[%run_scoped3A_17, %add3A, %dma_wait3A, %dma_wait3A_41] : memref<2x32x100x100xi32, #tpu.memory_space<hbm>> -> memref<1x1x100x100xi32, #tpu.memory_space<hbm>>
      %dma_wait3A_43 = tpu.memref_squeeze %dma_wait3A_42 : memref<1x1x100x100xi32, #tpu.memory_space<hbm>> -> memref<100x100xi32, #tpu.memory_space<hbm>>
      %dma_wait3A_44 = arith.constant 0 : i32
      %dma_wait3A_45 = arith.constant 0 : i32
      %dma_wait3A_46 = tpu.memref_slice %arg3[%run_scoped3A_17, %add3A, %dma_wait3A_44, %dma_wait3A_45] : memref<2x32x100x100xi32, #tpu.memory_space<hbm>> -> memref<1x1x100x100xi32, #tpu.memory_space<hbm>>
      %dma_wait3A_47 = tpu.memref_squeeze %dma_wait3A_46 : memref<1x1x100x100xi32, #tpu.memory_space<hbm>> -> memref<100x100xi32, #tpu.memory_space<hbm>>
      tpu.wait_dma2 semaphore(%run_scoped3A_32 : memref<!tpu.dma_semaphore, #tpu.memory_space<semaphore_mem>>) src(%dma_wait3A_47 : memref<100x100xi32, #tpu.memory_space<hbm>>) dst(%arg6 : memref<100x100xi32, #tpu.memory_space<vmem>>)
      tpu.yield
    }) : () -> ()
    %dma_start3A = arith.constant 0 : i32
    %dma_start3A_18 = arith.constant 0 : i32
    %dma_start3A_19 = tpu.memref_slice %arg5[%dma_start3A, %dma_start3A_18] : memref<100x100xi32, #tpu.memory_space<vmem>> -> memref<1x100xi32, #tpu.memory_space<vmem>>
    %dma_start3A_20 = tpu.memref_squeeze %dma_start3A_19 : memref<1x100xi32, #tpu.memory_space<vmem>> -> memref<100xi32, #tpu.memory_space<vmem>>
    %dma_start3A_21 = arith.constant 0 : i32
    %dma_start3A_22 = arith.constant 0 : i32
    %dma_start3A_23 = tpu.memref_slice %arg2[%dma_start3A_21, %dma_start3A_22] : memref<10000x128xf32, #tpu.memory_space<hbm>> -> memref<10000x128xf32, #tpu.memory_space<hbm>>
    tpu.enqueue_indirect_dma source(%dma_start3A_23 : memref<10000x128xf32, #tpu.memory_space<hbm>>) target(%arg7 : memref<100x128xf32, #tpu.memory_space<vmem>>) offsets(%dma_start3A_20 : memref<100xi32, #tpu.memory_space<vmem>>) semaphore(%arg11 : memref<!tpu.dma_semaphore, #tpu.memory_space<semaphore_mem>>)
    %scan3A_24 = arith.constant 0 : i32
    %scan3A_25 = arith.constant 0 : i32
    %scan3A_26 = arith.constant 50 : i32
    %scan3A_27 = arith.addi %scan3A_25, %scan3A_26 : i32
    %scan3A_28 = arith.constant 1 : i32
    %scan3A_29 = scf.for %scan3A_32 = %scan3A_25 to %scan3A_27 step %scan3A_28 iter_args(%scan3A_33 = %scan3A_24) -> (i32)  : i32 {
      %mul3A_34 = arith.constant 2 : i32
      %mul3A_35 = arith.muli %mul3A_34, %scan3A_32 : i32
      %add3A_36 = arith.constant 1 : i32
      %add3A_37 = arith.addi %mul3A_35, %add3A_36 : i32
      %dma_start3A_38 = arith.constant 0 : i32
      %dma_start3A_39 = tpu.memref_slice %arg5[%add3A_37, %dma_start3A_38] : memref<100x100xi32, #tpu.memory_space<vmem>> -> memref<1x100xi32, #tpu.memory_space<vmem>>
      %dma_start3A_40 = tpu.memref_squeeze %dma_start3A_39 : memref<1x100xi32, #tpu.memory_space<vmem>> -> memref<100xi32, #tpu.memory_space<vmem>>
      %dma_start3A_41 = arith.constant 0 : i32
      %dma_start3A_42 = arith.constant 0 : i32
      %dma_start3A_43 = tpu.memref_slice %arg2[%dma_start3A_41, %dma_start3A_42] : memref<10000x128xf32, #tpu.memory_space<hbm>> -> memref<10000x128xf32, #tpu.memory_space<hbm>>
      tpu.enqueue_indirect_dma source(%dma_start3A_43 : memref<10000x128xf32, #tpu.memory_space<hbm>>) target(%arg8 : memref<100x128xf32, #tpu.memory_space<vmem>>) offsets(%dma_start3A_40 : memref<100xi32, #tpu.memory_space<vmem>>) semaphore(%arg12 : memref<!tpu.dma_semaphore, #tpu.memory_space<semaphore_mem>>)
      %dma_wait3A = arith.constant 0 : i32
      %dma_wait3A_44 = tpu.memref_slice %arg5[%mul3A_35, %dma_wait3A] : memref<100x100xi32, #tpu.memory_space<vmem>> -> memref<1x100xi32, #tpu.memory_space<vmem>>
      %dma_wait3A_45 = tpu.memref_squeeze %dma_wait3A_44 : memref<1x100xi32, #tpu.memory_space<vmem>> -> memref<100xi32, #tpu.memory_space<vmem>>
      %dma_wait3A_46 = arith.constant 0 : i32
      %dma_wait3A_47 = arith.constant 0 : i32
      %dma_wait3A_48 = tpu.memref_slice %arg2[%dma_wait3A_46, %dma_wait3A_47] : memref<10000x128xf32, #tpu.memory_space<hbm>> -> memref<10000x128xf32, #tpu.memory_space<hbm>>
      tpu.wait_indirect_dma semaphore(%arg11 : memref<!tpu.dma_semaphore, #tpu.memory_space<semaphore_mem>>) src(%dma_wait3A_48 : memref<10000x128xf32, #tpu.memory_space<hbm>>) dst(%arg7 : memref<100x128xf32, #tpu.memory_space<vmem>>)
      "tpu.region"() ({
        %run_scoped3A_62 = tpu.sem_alloc : memref<!tpu.dma_semaphore, #tpu.memory_space<semaphore_mem>>
        %dma_start3A_63 = arith.constant 0 : i32
        %dma_start3A_64 = tpu.memref_slice %arg6[%mul3A_35, %dma_start3A_63] : memref<100x100xi32, #tpu.memory_space<vmem>> -> memref<1x100xi32, #tpu.memory_space<vmem>>
        %dma_start3A_65 = tpu.memref_squeeze %dma_start3A_64 : memref<1x100xi32, #tpu.memory_space<vmem>> -> memref<100xi32, #tpu.memory_space<vmem>>
        %dma_start3A_66 = arith.constant 0 : i32
        %dma_start3A_67 = arith.constant 0 : i32
        %dma_start3A_68 = tpu.memref_slice %arg10[%dma_start3A_66, %dma_start3A_67] : memref<10000x128xf32, #tpu.memory_space<vmem_shared>> -> memref<10000x128xf32, #tpu.memory_space<vmem_shared>>
        tpu.enqueue_indirect_dma source(%arg7 : memref<100x128xf32, #tpu.memory_space<vmem>>) target(%dma_start3A_68 : memref<10000x128xf32, #tpu.memory_space<vmem_shared>>) offsets(%dma_start3A_65 : memref<100xi32, #tpu.memory_space<vmem>>) semaphore(%run_scoped3A_62 : memref<!tpu.dma_semaphore, #tpu.memory_space<semaphore_mem>>) {add = true}
        %dma_wait3A_69 = arith.constant 0 : i32
        %dma_wait3A_70 = tpu.memref_slice %arg6[%mul3A_35, %dma_wait3A_69] : memref<100x100xi32, #tpu.memory_space<vmem>> -> memref<1x100xi32, #tpu.memory_space<vmem>>
        %dma_wait3A_71 = tpu.memref_squeeze %dma_wait3A_70 : memref<1x100xi32, #tpu.memory_space<vmem>> -> memref<100xi32, #tpu.memory_space<vmem>>
        %dma_wait3A_72 = arith.constant 0 : i32
        %dma_wait3A_73 = arith.constant 0 : i32
        %dma_wait3A_74 = tpu.memref_slice %arg10[%dma_wait3A_72, %dma_wait3A_73] : memref<10000x128xf32, #tpu.memory_space<vmem_shared>> -> memref<10000x128xf32, #tpu.memory_space<vmem_shared>>
        tpu.wait_indirect_dma semaphore(%run_scoped3A_62 : memref<!tpu.dma_semaphore, #tpu.memory_space<semaphore_mem>>) src(%arg7 : memref<100x128xf32, #tpu.memory_space<vmem>>) dst(%dma_wait3A_74 : memref<10000x128xf32, #tpu.memory_space<vmem_shared>>)
        tpu.yield
      }) : () -> ()
      %lt3A = arith.constant 49 : i32
      %lt3A_49 = arith.cmpi slt, %scan3A_32, %lt3A : i32
      %convert_element_type3A = arith.extui %lt3A_49 : i1 to i32
      %cond3A = arith.constant 0 : i32
      %cond3A_50 = arith.cmpi ne, %convert_element_type3A, %cond3A : i32
      scf.if %cond3A_50 {
        %add3A_62 = arith.constant 2 : i32
        %add3A_63 = arith.addi %mul3A_35, %add3A_62 : i32
        %dma_start3A_64 = arith.constant 0 : i32
        %dma_start3A_65 = tpu.memref_slice %arg5[%add3A_63, %dma_start3A_64] : memref<100x100xi32, #tpu.memory_space<vmem>> -> memref<1x100xi32, #tpu.memory_space<vmem>>
        %dma_start3A_66 = tpu.memref_squeeze %dma_start3A_65 : memref<1x100xi32, #tpu.memory_space<vmem>> -> memref<100xi32, #tpu.memory_space<vmem>>
        %dma_start3A_67 = arith.constant 0 : i32
        %dma_start3A_68 = arith.constant 0 : i32
        %dma_start3A_69 = tpu.memref_slice %arg2[%dma_start3A_67, %dma_start3A_68] : memref<10000x128xf32, #tpu.memory_space<hbm>> -> memref<10000x128xf32, #tpu.memory_space<hbm>>
        tpu.enqueue_indirect_dma source(%dma_start3A_69 : memref<10000x128xf32, #tpu.memory_space<hbm>>) target(%arg7 : memref<100x128xf32, #tpu.memory_space<vmem>>) offsets(%dma_start3A_66 : memref<100xi32, #tpu.memory_space<vmem>>) semaphore(%arg11 : memref<!tpu.dma_semaphore, #tpu.memory_space<semaphore_mem>>)
      } else {
      }
      %add3A_51 = arith.constant 1 : i32
      %add3A_52 = arith.addi %mul3A_35, %add3A_51 : i32
      %dma_wait3A_53 = arith.constant 0 : i32
      %dma_wait3A_54 = tpu.memref_slice %arg5[%add3A_52, %dma_wait3A_53] : memref<100x100xi32, #tpu.memory_space<vmem>> -> memref<1x100xi32, #tpu.memory_space<vmem>>
      %dma_wait3A_55 = tpu.memref_squeeze %dma_wait3A_54 : memref<1x100xi32, #tpu.memory_space<vmem>> -> memref<100xi32, #tpu.memory_space<vmem>>
      %dma_wait3A_56 = arith.constant 0 : i32
      %dma_wait3A_57 = arith.constant 0 : i32
      %dma_wait3A_58 = tpu.memref_slice %arg2[%dma_wait3A_56, %dma_wait3A_57] : memref<10000x128xf32, #tpu.memory_space<hbm>> -> memref<10000x128xf32, #tpu.memory_space<hbm>>
      tpu.wait_indirect_dma semaphore(%arg12 : memref<!tpu.dma_semaphore, #tpu.memory_space<semaphore_mem>>) src(%dma_wait3A_58 : memref<10000x128xf32, #tpu.memory_space<hbm>>) dst(%arg8 : memref<100x128xf32, #tpu.memory_space<vmem>>)
      %add3A_59 = arith.constant 1 : i32
      %add3A_60 = arith.addi %mul3A_35, %add3A_59 : i32
      "tpu.region"() ({
        %run_scoped3A_62 = tpu.sem_alloc : memref<!tpu.dma_semaphore, #tpu.memory_space<semaphore_mem>>
        %dma_start3A_63 = arith.constant 0 : i32
        %dma_start3A_64 = tpu.memref_slice %arg6[%add3A_60, %dma_start3A_63] : memref<100x100xi32, #tpu.memory_space<vmem>> -> memref<1x100xi32, #tpu.memory_space<vmem>>
        %dma_start3A_65 = tpu.memref_squeeze %dma_start3A_64 : memref<1x100xi32, #tpu.memory_space<vmem>> -> memref<100xi32, #tpu.memory_space<vmem>>
        %dma_start3A_66 = arith.constant 0 : i32
        %dma_start3A_67 = arith.constant 0 : i32
        %dma_start3A_68 = tpu.memref_slice %arg10[%dma_start3A_66, %dma_start3A_67] : memref<10000x128xf32, #tpu.memory_space<vmem_shared>> -> memref<10000x128xf32, #tpu.memory_space<vmem_shared>>
        tpu.enqueue_indirect_dma source(%arg8 : memref<100x128xf32, #tpu.memory_space<vmem>>) target(%dma_start3A_68 : memref<10000x128xf32, #tpu.memory_space<vmem_shared>>) offsets(%dma_start3A_65 : memref<100xi32, #tpu.memory_space<vmem>>) semaphore(%run_scoped3A_62 : memref<!tpu.dma_semaphore, #tpu.memory_space<semaphore_mem>>) {add = true}
        %dma_wait3A_69 = arith.constant 0 : i32
        %dma_wait3A_70 = tpu.memref_slice %arg6[%add3A_60, %dma_wait3A_69] : memref<100x100xi32, #tpu.memory_space<vmem>> -> memref<1x100xi32, #tpu.memory_space<vmem>>
        %dma_wait3A_71 = tpu.memref_squeeze %dma_wait3A_70 : memref<1x100xi32, #tpu.memory_space<vmem>> -> memref<100xi32, #tpu.memory_space<vmem>>
        %dma_wait3A_72 = arith.constant 0 : i32
        %dma_wait3A_73 = arith.constant 0 : i32
        %dma_wait3A_74 = tpu.memref_slice %arg10[%dma_wait3A_72, %dma_wait3A_73] : memref<10000x128xf32, #tpu.memory_space<vmem_shared>> -> memref<10000x128xf32, #tpu.memory_space<vmem_shared>>
        tpu.wait_indirect_dma semaphore(%run_scoped3A_62 : memref<!tpu.dma_semaphore, #tpu.memory_space<semaphore_mem>>) src(%arg8 : memref<100x128xf32, #tpu.memory_space<vmem>>) dst(%dma_wait3A_74 : memref<10000x128xf32, #tpu.memory_space<vmem_shared>>)
        tpu.yield
      }) : () -> ()
      %scan3A_61 = arith.constant 0 : i32
      scf.yield %scan3A_61 : i32
    }
    %scan3A_30 = arith.constant 50 : i32
    %barrier3A_31 = arith.constant 0 : index
    tpu.barrier barrier_id(%barrier3A_31)
    "tpu.region"() ({
      %run_scoped3A_32 = tpu.sem_alloc : memref<!tpu.dma_semaphore, #tpu.memory_space<semaphore_mem>>
      %dma_start3A_33 = arith.constant 0 : i32
      %dma_start3A_34 = tpu.memref_slice %arg4[%arg0, %mul3A_9, %dma_start3A_33] : memref<2x10000x128xf32, #tpu.memory_space<hbm>> -> memref<1x625x128xf32, #tpu.memory_space<hbm>>
      %dma_start3A_35 = tpu.memref_squeeze %dma_start3A_34 : memref<1x625x128xf32, #tpu.memory_space<hbm>> -> memref<625x128xf32, #tpu.memory_space<hbm>>
      %dma_start3A_36 = arith.constant 0 : i32
      %dma_start3A_37 = tpu.memref_slice %arg10[%mul3A_9, %dma_start3A_36] : memref<10000x128xf32, #tpu.memory_space<vmem_shared>> -> memref<625x128xf32, #tpu.memory_space<vmem_shared>>
      tpu.enqueue_dma source(%dma_start3A_37 : memref<625x128xf32, #tpu.memory_space<vmem_shared>>) target(%dma_start3A_35 : memref<625x128xf32, #tpu.memory_space<hbm>>) target_semaphore(%run_scoped3A_32 : memref<!tpu.dma_semaphore, #tpu.memory_space<semaphore_mem>>)
      %dma_wait3A = arith.constant 0 : i32
      %dma_wait3A_38 = tpu.memref_slice %arg4[%arg0, %mul3A_9, %dma_wait3A] : memref<2x10000x128xf32, #tpu.memory_space<hbm>> -> memref<1x625x128xf32, #tpu.memory_space<hbm>>
      %dma_wait3A_39 = tpu.memref_squeeze %dma_wait3A_38 : memref<1x625x128xf32, #tpu.memory_space<hbm>> -> memref<625x128xf32, #tpu.memory_space<hbm>>
      %dma_wait3A_40 = arith.constant 0 : i32
      %dma_wait3A_41 = tpu.memref_slice %arg10[%mul3A_9, %dma_wait3A_40] : memref<10000x128xf32, #tpu.memory_space<vmem_shared>> -> memref<625x128xf32, #tpu.memory_space<vmem_shared>>
      tpu.wait_dma2 semaphore(%run_scoped3A_32 : memref<!tpu.dma_semaphore, #tpu.memory_space<semaphore_mem>>) src(%dma_wait3A_41 : memref<625x128xf32, #tpu.memory_space<vmem_shared>>) dst(%dma_wait3A_39 : memref<625x128xf32, #tpu.memory_space<hbm>>)
      tpu.yield
    }) : () -> ()
    return
  }
}

#map = affine_map<(d0, d1) -> (0, 0, 0, 0)>
#map1 = affine_map<(d0, d1) -> (0, 0, 0)>
module attributes {stable_mosaic.version = 14 : i64} {
  func.func @k(%arg0: i32, %arg1: i32, %arg2: memref<2x32x100x100xi32, #tpu.memory_space<hbm>>, %arg3: memref<2x10000x16xf32, #tpu.memory_space<hbm>>, %arg4: memref<100x100xi32, #tpu.memory_space<vmem>>, %arg5: memref<100x16xf32, #tpu.memory_space<vmem>>, %arg6: memref<25x16xf32, #tpu.memory_space<vmem>>, %arg7: memref<10000x16xf32, #tpu.memory_space<vmem_shared>>) attributes {dimension_semantics = [#tpu.dimension_semantics<core_parallel>, #tpu.dimension_semantics<subcore_parallel>], iteration_bounds = array<i64: 2, 16>, scalar_prefetch = 0 : i64, scratch_operands = 4 : i64, tpu.core_type = #tpu.core_type<sc_vector_subcore>, window_params = [{transform_indices = #map}, {transform_indices = #map1}]} {
    %mul3A = arith.constant 16 : i32
    %mul3A_0 = arith.muli %arg0, %mul3A : i32
    %add3A = arith.addi %mul3A_0, %arg1 : i32
    %broadcast_in_dim3A = arith.constant 1.000000e+00 : f32
    %broadcast_in_dim3A_1 = vector.broadcast %broadcast_in_dim3A : f32 to vector<16xf32>
    %broadcast_in_dim3A_2 = arith.constant 0.000000e+00 : f32
    %broadcast_in_dim3A_3 = vector.broadcast %broadcast_in_dim3A_2 : f32 to vector<16xf32>
    %scan3A = arith.constant 0 : i32
    %scan3A_4 = arith.constant 0 : i32
    %scan3A_5 = arith.constant 100 : i32
    %scan3A_6 = arith.addi %scan3A_4, %scan3A_5 : i32
    %scan3A_7 = arith.constant 1 : i32
    %scan3A_8 = scf.for %scan3A_34 = %scan3A_4 to %scan3A_6 step %scan3A_7 iter_args(%scan3A_35 = %scan3A) -> (i32)  : i32 {
      %swap3A = arith.index_cast %scan3A_34 : i32 to index
      %swap3A_36 = arith.constant 0 : index
      %swap3A_37 = tpu.vector_load %arg5[%swap3A, %swap3A_36] {strides = array<i32>} : memref<100x16xf32, #tpu.memory_space<vmem>>, vector<1x16xf32>,
      %swap3A_38 = vector.shape_cast %swap3A_37 : vector<1x16xf32> to vector<16xf32>
      %swap3A_39 = vector.shape_cast %broadcast_in_dim3A_1 : vector<16xf32> to vector<1x16xf32>
      tpu.vector_store %arg5[%swap3A, %swap3A_36], %swap3A_39 {strides = array<i32>} : memref<100x16xf32, #tpu.memory_space<vmem>>, vector<1x16xf32>,
      %scan3A_40 = arith.constant 0 : i32
      scf.yield %scan3A_40 : i32
    }
    %scan3A_9 = arith.constant 100 : i32
    %scan3A_10 = arith.constant 0 : i32
    %scan3A_11 = arith.constant 0 : i32
    %scan3A_12 = arith.constant 25 : i32
    %scan3A_13 = arith.addi %scan3A_11, %scan3A_12 : i32
    %scan3A_14 = arith.constant 1 : i32
    %scan3A_15 = scf.for %scan3A_34 = %scan3A_11 to %scan3A_13 step %scan3A_14 iter_args(%scan3A_35 = %scan3A_10) -> (i32)  : i32 {
      %swap3A = arith.index_cast %scan3A_34 : i32 to index
      %swap3A_36 = arith.constant 0 : index
      %swap3A_37 = tpu.vector_load %arg6[%swap3A, %swap3A_36] {strides = array<i32>} : memref<25x16xf32, #tpu.memory_space<vmem>>, vector<1x16xf32>,
      %swap3A_38 = vector.shape_cast %swap3A_37 : vector<1x16xf32> to vector<16xf32>
      %swap3A_39 = vector.shape_cast %broadcast_in_dim3A_3 : vector<16xf32> to vector<1x16xf32>
      tpu.vector_store %arg6[%swap3A, %swap3A_36], %swap3A_39 {strides = array<i32>} : memref<25x16xf32, #tpu.memory_space<vmem>>, vector<1x16xf32>,
      %scan3A_40 = arith.constant 0 : i32
      scf.yield %scan3A_40 : i32
    }
    %scan3A_16 = arith.constant 25 : i32
    %mul3A_17 = arith.constant 625 : i32
    %mul3A_18 = arith.muli %arg1, %mul3A_17 : i32
    %scan3A_19 = arith.constant 0 : i32
    %scan3A_20 = arith.constant 0 : i32
    %scan3A_21 = arith.constant 25 : i32
    %scan3A_22 = arith.addi %scan3A_20, %scan3A_21 : i32
    %scan3A_23 = arith.constant 1 : i32
    %scan3A_24 = scf.for %scan3A_34 = %scan3A_20 to %scan3A_22 step %scan3A_23 iter_args(%scan3A_35 = %scan3A_19) -> (i32)  : i32 {
      %mul3A_36 = arith.constant 25 : i32
      %mul3A_37 = arith.muli %scan3A_34, %mul3A_36 : i32
      %add3A_38 = arith.addi %mul3A_18, %mul3A_37 : i32
      "tpu.region"() ({
        %run_scoped3A_40 = tpu.sem_alloc : memref<!tpu.dma_semaphore, #tpu.memory_space<semaphore_mem>>
        %dma_start3A = arith.constant 0 : i32
        %dma_start3A_41 = tpu.memref_slice %arg7[%add3A_38, %dma_start3A] : memref<10000x16xf32, #tpu.memory_space<vmem_shared>> -> memref<25x16xf32, #tpu.memory_space<vmem_shared>>
        %dma_start3A_42 = arith.constant 0 : i32
        %dma_start3A_43 = tpu.memref_slice %arg7[%add3A_38, %dma_start3A_42] : memref<10000x16xf32, #tpu.memory_space<vmem_shared>> -> memref<25x16xf32, #tpu.memory_space<vmem_shared>>
        tpu.enqueue_dma source(%arg6 : memref<25x16xf32, #tpu.memory_space<vmem>>) target(%dma_start3A_43 : memref<25x16xf32, #tpu.memory_space<vmem_shared>>) target_semaphore(%run_scoped3A_40 : memref<!tpu.dma_semaphore, #tpu.memory_space<semaphore_mem>>)
        %dma_wait3A = arith.constant 0 : i32
        %dma_wait3A_44 = tpu.memref_slice %arg7[%add3A_38, %dma_wait3A] : memref<10000x16xf32, #tpu.memory_space<vmem_shared>> -> memref<25x16xf32, #tpu.memory_space<vmem_shared>>
        %dma_wait3A_45 = arith.constant 0 : i32
        %dma_wait3A_46 = tpu.memref_slice %arg7[%add3A_38, %dma_wait3A_45] : memref<10000x16xf32, #tpu.memory_space<vmem_shared>> -> memref<25x16xf32, #tpu.memory_space<vmem_shared>>
        tpu.wait_dma2 semaphore(%run_scoped3A_40 : memref<!tpu.dma_semaphore, #tpu.memory_space<semaphore_mem>>) src(%arg6 : memref<25x16xf32, #tpu.memory_space<vmem>>) dst(%dma_wait3A_46 : memref<25x16xf32, #tpu.memory_space<vmem_shared>>)
        tpu.yield
      }) : () -> ()
      %scan3A_39 = arith.constant 0 : i32
      scf.yield %scan3A_39 : i32
    }
    %scan3A_25 = arith.constant 25 : i32
    %barrier3A = arith.constant 0 : index
    tpu.barrier barrier_id(%barrier3A)
    %run_scoped3A = arith.constant 1 : i32
    "tpu.region"() ({
      %run_scoped3A_34 = tpu.sem_alloc : memref<!tpu.dma_semaphore, #tpu.memory_space<semaphore_mem>>
      %dma_start3A = arith.constant 0 : i32
      %dma_start3A_35 = arith.constant 0 : i32
      %dma_start3A_36 = tpu.memref_slice %arg2[%run_scoped3A, %add3A, %dma_start3A, %dma_start3A_35] : memref<2x32x100x100xi32, #tpu.memory_space<hbm>> -> memref<1x1x100x100xi32, #tpu.memory_space<hbm>>
      %dma_start3A_37 = tpu.memref_squeeze %dma_start3A_36 : memref<1x1x100x100xi32, #tpu.memory_space<hbm>> -> memref<100x100xi32, #tpu.memory_space<hbm>>
      %dma_start3A_38 = arith.constant 0 : i32
      %dma_start3A_39 = arith.constant 0 : i32
      %dma_start3A_40 = tpu.memref_slice %arg2[%run_scoped3A, %add3A, %dma_start3A_38, %dma_start3A_39] : memref<2x32x100x100xi32, #tpu.memory_space<hbm>> -> memref<1x1x100x100xi32, #tpu.memory_space<hbm>>
      %dma_start3A_41 = tpu.memref_squeeze %dma_start3A_40 : memref<1x1x100x100xi32, #tpu.memory_space<hbm>> -> memref<100x100xi32, #tpu.memory_space<hbm>>
      tpu.enqueue_dma source(%dma_start3A_41 : memref<100x100xi32, #tpu.memory_space<hbm>>) target(%arg4 : memref<100x100xi32, #tpu.memory_space<vmem>>) target_semaphore(%run_scoped3A_34 : memref<!tpu.dma_semaphore, #tpu.memory_space<semaphore_mem>>)
      %dma_wait3A = arith.constant 0 : i32
      %dma_wait3A_42 = arith.constant 0 : i32
      %dma_wait3A_43 = tpu.memref_slice %arg2[%run_scoped3A, %add3A, %dma_wait3A, %dma_wait3A_42] : memref<2x32x100x100xi32, #tpu.memory_space<hbm>> -> memref<1x1x100x100xi32, #tpu.memory_space<hbm>>
      %dma_wait3A_44 = tpu.memref_squeeze %dma_wait3A_43 : memref<1x1x100x100xi32, #tpu.memory_space<hbm>> -> memref<100x100xi32, #tpu.memory_space<hbm>>
      %dma_wait3A_45 = arith.constant 0 : i32
      %dma_wait3A_46 = arith.constant 0 : i32
      %dma_wait3A_47 = tpu.memref_slice %arg2[%run_scoped3A, %add3A, %dma_wait3A_45, %dma_wait3A_46] : memref<2x32x100x100xi32, #tpu.memory_space<hbm>> -> memref<1x1x100x100xi32, #tpu.memory_space<hbm>>
      %dma_wait3A_48 = tpu.memref_squeeze %dma_wait3A_47 : memref<1x1x100x100xi32, #tpu.memory_space<hbm>> -> memref<100x100xi32, #tpu.memory_space<hbm>>
      tpu.wait_dma2 semaphore(%run_scoped3A_34 : memref<!tpu.dma_semaphore, #tpu.memory_space<semaphore_mem>>) src(%dma_wait3A_48 : memref<100x100xi32, #tpu.memory_space<hbm>>) dst(%arg4 : memref<100x100xi32, #tpu.memory_space<vmem>>)
      tpu.yield
    }) : () -> ()
    %scan3A_26 = arith.constant 0 : i32
    %scan3A_27 = arith.constant 0 : i32
    %scan3A_28 = arith.constant 100 : i32
    %scan3A_29 = arith.addi %scan3A_27, %scan3A_28 : i32
    %scan3A_30 = arith.constant 1 : i32
    %scan3A_31 = scf.for %scan3A_34 = %scan3A_27 to %scan3A_29 step %scan3A_30 iter_args(%scan3A_35 = %scan3A_26) -> (i32)  : i32 {
      "tpu.region"() ({
        %run_scoped3A_37 = tpu.sem_alloc : memref<!tpu.dma_semaphore, #tpu.memory_space<semaphore_mem>>
        %dma_start3A = arith.constant 0 : i32
        %dma_start3A_38 = tpu.memref_slice %arg4[%scan3A_34, %dma_start3A] : memref<100x100xi32, #tpu.memory_space<vmem>> -> memref<1x100xi32, #tpu.memory_space<vmem>>
        %dma_start3A_39 = tpu.memref_squeeze %dma_start3A_38 : memref<1x100xi32, #tpu.memory_space<vmem>> -> memref<100xi32, #tpu.memory_space<vmem>>
        %dma_start3A_40 = arith.constant 0 : i32
        %dma_start3A_41 = arith.constant 0 : i32
        %dma_start3A_42 = tpu.memref_slice %arg7[%dma_start3A_40, %dma_start3A_41] : memref<10000x16xf32, #tpu.memory_space<vmem_shared>> -> memref<10000x16xf32, #tpu.memory_space<vmem_shared>>
        tpu.enqueue_indirect_dma source(%arg5 : memref<100x16xf32, #tpu.memory_space<vmem>>) target(%dma_start3A_42 : memref<10000x16xf32, #tpu.memory_space<vmem_shared>>) offsets(%dma_start3A_39 : memref<100xi32, #tpu.memory_space<vmem>>) semaphore(%run_scoped3A_37 : memref<!tpu.dma_semaphore, #tpu.memory_space<semaphore_mem>>) {add = true}
        %dma_wait3A = arith.constant 0 : i32
        %dma_wait3A_43 = tpu.memref_slice %arg4[%scan3A_34, %dma_wait3A] : memref<100x100xi32, #tpu.memory_space<vmem>> -> memref<1x100xi32, #tpu.memory_space<vmem>>
        %dma_wait3A_44 = tpu.memref_squeeze %dma_wait3A_43 : memref<1x100xi32, #tpu.memory_space<vmem>> -> memref<100xi32, #tpu.memory_space<vmem>>
        %dma_wait3A_45 = arith.constant 0 : i32
        %dma_wait3A_46 = arith.constant 0 : i32
        %dma_wait3A_47 = tpu.memref_slice %arg7[%dma_wait3A_45, %dma_wait3A_46] : memref<10000x16xf32, #tpu.memory_space<vmem_shared>> -> memref<10000x16xf32, #tpu.memory_space<vmem_shared>>
        tpu.wait_indirect_dma semaphore(%run_scoped3A_37 : memref<!tpu.dma_semaphore, #tpu.memory_space<semaphore_mem>>) src(%arg5 : memref<100x16xf32, #tpu.memory_space<vmem>>) dst(%dma_wait3A_47 : memref<10000x16xf32, #tpu.memory_space<vmem_shared>>)
        tpu.yield
      }) : () -> ()
      %scan3A_36 = arith.constant 0 : i32
      scf.yield %scan3A_36 : i32
    }
    %scan3A_32 = arith.constant 100 : i32
    %barrier3A_33 = arith.constant 0 : index
    tpu.barrier barrier_id(%barrier3A_33)
    "tpu.region"() ({
      %run_scoped3A_34 = tpu.sem_alloc : memref<!tpu.dma_semaphore, #tpu.memory_space<semaphore_mem>>
      %dma_start3A = arith.constant 0 : i32
      %dma_start3A_35 = tpu.memref_slice %arg3[%arg0, %mul3A_18, %dma_start3A] : memref<2x10000x16xf32, #tpu.memory_space<hbm>> -> memref<1x625x16xf32, #tpu.memory_space<hbm>>
      %dma_start3A_36 = tpu.memref_squeeze %dma_start3A_35 : memref<1x625x16xf32, #tpu.memory_space<hbm>> -> memref<625x16xf32, #tpu.memory_space<hbm>>
      %dma_start3A_37 = arith.constant 0 : i32
      %dma_start3A_38 = tpu.memref_slice %arg7[%mul3A_18, %dma_start3A_37] : memref<10000x16xf32, #tpu.memory_space<vmem_shared>> -> memref<625x16xf32, #tpu.memory_space<vmem_shared>>
      tpu.enqueue_dma source(%dma_start3A_38 : memref<625x16xf32, #tpu.memory_space<vmem_shared>>) target(%dma_start3A_36 : memref<625x16xf32, #tpu.memory_space<hbm>>) target_semaphore(%run_scoped3A_34 : memref<!tpu.dma_semaphore, #tpu.memory_space<semaphore_mem>>)
      %dma_wait3A = arith.constant 0 : i32
      %dma_wait3A_39 = tpu.memref_slice %arg3[%arg0, %mul3A_18, %dma_wait3A] : memref<2x10000x16xf32, #tpu.memory_space<hbm>> -> memref<1x625x16xf32, #tpu.memory_space<hbm>>
      %dma_wait3A_40 = tpu.memref_squeeze %dma_wait3A_39 : memref<1x625x16xf32, #tpu.memory_space<hbm>> -> memref<625x16xf32, #tpu.memory_space<hbm>>
      %dma_wait3A_41 = arith.constant 0 : i32
      %dma_wait3A_42 = tpu.memref_slice %arg7[%mul3A_18, %dma_wait3A_41] : memref<10000x16xf32, #tpu.memory_space<vmem_shared>> -> memref<625x16xf32, #tpu.memory_space<vmem_shared>>
      tpu.wait_dma2 semaphore(%run_scoped3A_34 : memref<!tpu.dma_semaphore, #tpu.memory_space<semaphore_mem>>) src(%dma_wait3A_42 : memref<625x16xf32, #tpu.memory_space<vmem_shared>>) dst(%dma_wait3A_40 : memref<625x16xf32, #tpu.memory_space<hbm>>)
      tpu.yield
    }) : () -> ()
    return
  }
}

module attributes {stable_mosaic.version = 14 : i64} {
  func.func @body(%arg0: i32, %arg1: memref<400x128xf32, #tpu.memory_space<vmem>>, %arg2: memref<128x128xf32, #tpu.memory_space<vmem>>, %arg3: memref<2x400x16xf32, #tpu.memory_space<vmem>>, %arg4: memref<400x128xf32, #tpu.memory_space<vmem>>, %arg5: memref<400x16xf32, #tpu.memory_space<vmem>>) attributes {dimension_semantics = [#tpu.dimension_semantics<arbitrary>], iteration_bounds = array<i64: 25>, scalar_prefetch = 0 : i64, scratch_operands = 0 : i64, tpu.core_type = #tpu.core_type<tc>, window_params = [{transform_indices = @transform_0, window_bounds = array<i64: 400, 128>}, {pipeline_mode = #tpu.pipeline_mode<synchronous>, transform_indices = @transform_1, window_bounds = array<i64: 128, 128>}, {transform_indices = @transform_2, window_bounds = array<i64: 2, 400, 16>}, {transform_indices = @transform_3, window_bounds = array<i64: 400, 128>}, {transform_indices = @transform_4, window_bounds = array<i64: 400, 16>}]} {
    %get3A = arith.constant 0 : index
    %get3A_0 = arith.constant 0 : index
    %get3A_1 = arith.constant 0 : index
    %get3A_2 = vector.load %arg3[%get3A, %get3A_0, %get3A_1] : memref<2x400x16xf32, #tpu.memory_space<vmem>>, vector<1x400x1xf32>
    %get3A_3 = vector.shape_cast %get3A_2 : vector<1x400x1xf32> to vector<400x1xf32>
    %get3A_4 = arith.constant 1 : index
    %get3A_5 = arith.constant 0 : index
    %get3A_6 = arith.constant 0 : index
    %get3A_7 = vector.load %arg3[%get3A_4, %get3A_5, %get3A_6] : memref<2x400x16xf32, #tpu.memory_space<vmem>>, vector<1x400x1xf32>
    %get3A_8 = vector.shape_cast %get3A_7 : vector<1x400x1xf32> to vector<400x1xf32>
    %add3A = arith.addf %get3A_3, %get3A_8 : vector<400x1xf32>
    %add3A_9 = arith.constant 1.000000e+00 : f32
    %add3A_10 = vector.broadcast %add3A_9 : f32 to vector<400x1xf32>
    %add3A_11 = arith.addf %add3A, %add3A_10 : vector<400x1xf32>
    %rsqrt3A = math.rsqrt %add3A_11 : vector<400x1xf32>
    %get3A_12 = arith.constant 0 : index
    %get3A_13 = arith.constant 0 : index
    %get3A_14 = vector.load %arg1[%get3A_12, %get3A_13] : memref<400x128xf32, #tpu.memory_space<vmem>>, vector<400x128xf32>
    %get3A_15 = arith.constant 0 : index
    %get3A_16 = arith.constant 0 : index
    %get3A_17 = vector.load %arg2[%get3A_15, %get3A_16] : memref<128x128xf32, #tpu.memory_space<vmem>>, vector<128x128xf32>
    %dot_general3A = arith.constant dense<0.000000e+00> : vector<400x128xf32>
    %dot_general3A_18 = tpu.matmul %get3A_14, %get3A_17, %dot_general3A {dimension_numbers = #tpu.dot_dimension_numbers<[1], [0], [0], [1], [0, 0, 1, 1], [], []>, transpose_lhs_hint = false} : vector<400x128xf32>, vector<128x128xf32>, vector<400x128xf32> -> vector<400x128xf32>
    %mul3A = vector.broadcast %rsqrt3A : vector<400x1xf32> to vector<400x128xf32>
    %mul3A_19 = arith.mulf %dot_general3A_18, %mul3A : vector<400x128xf32>
    %swap3A = arith.constant 0 : index
    %swap3A_20 = arith.constant 0 : index
    %swap3A_21 = vector.load %arg4[%swap3A, %swap3A_20] : memref<400x128xf32, #tpu.memory_space<vmem>>, vector<400x128xf32>
    tpu.vector_store %arg4[%swap3A, %swap3A_20], %mul3A_19 {strides = array<i32>} : memref<400x128xf32, #tpu.memory_space<vmem>>, vector<400x128xf32>,
    %broadcast_in_dim3A = vector.shape_cast %rsqrt3A : vector<400x1xf32> to vector<400x1xf32>
    %broadcast_in_dim3A_22 = vector.broadcast %broadcast_in_dim3A : vector<400x1xf32> to vector<400x16xf32>
    %swap3A_23 = arith.constant 0 : index
    %swap3A_24 = arith.constant 0 : index
    %swap3A_25 = vector.load %arg5[%swap3A_23, %swap3A_24] : memref<400x16xf32, #tpu.memory_space<vmem>>, vector<400x16xf32>
    tpu.vector_store %arg5[%swap3A_23, %swap3A_24], %broadcast_in_dim3A_22 {strides = array<i32>} : memref<400x16xf32, #tpu.memory_space<vmem>>, vector<400x16xf32>,
    return
  }
  func.func @transform_0(%arg0: i32) -> (i32, i32) {
    %c0_i32 = arith.constant 0 : i32
    %c0_i32_0 = arith.constant 0 : i32
    return %arg0, %c0_i32 : i32, i32
  }
  func.func @transform_1(%arg0: i32) -> (i32, i32) {
    %c0_i32 = arith.constant 0 : i32
    %c0_i32_0 = arith.constant 0 : i32
    %c0_i32_1 = arith.constant 0 : i32
    return %c0_i32, %c0_i32_0 : i32, i32
  }
  func.func @transform_2(%arg0: i32) -> (i32, i32, i32) {
    %c0_i32 = arith.constant 0 : i32
    %c0_i32_0 = arith.constant 0 : i32
    %c0_i32_1 = arith.constant 0 : i32
    return %c0_i32, %arg0, %c0_i32_0 : i32, i32, i32
  }
  func.func @transform_3(%arg0: i32) -> (i32, i32) {
    %c0_i32 = arith.constant 0 : i32
    %c0_i32_0 = arith.constant 0 : i32
    return %arg0, %c0_i32 : i32, i32
  }
  func.func @transform_4(%arg0: i32) -> (i32, i32) {
    %c0_i32 = arith.constant 0 : i32
    %c0_i32_0 = arith.constant 0 : i32
    return %arg0, %c0_i32 : i32, i32
  }
}

module attributes {stable_mosaic.version = 14 : i64} {
  func.func @body(%arg0: i32, %arg1: memref<2x400x128xf32, #tpu.memory_space<vmem>>, %arg2: memref<400x128xf32, #tpu.memory_space<vmem>>, %arg3: memref<400x16xf32, #tpu.memory_space<vmem>>, %arg4: memref<1x128xf32, #tpu.memory_space<vmem>>, %arg5: memref<128x40xf32, #tpu.memory_space<vmem>>, %arg6: memref<400x48xf32, #tpu.memory_space<vmem>>) attributes {dimension_semantics = [#tpu.dimension_semantics<arbitrary>], iteration_bounds = array<i64: 25>, scalar_prefetch = 0 : i64, scratch_operands = 0 : i64, tpu.core_type = #tpu.core_type<tc>, window_params = [{transform_indices = @transform_0, window_bounds = array<i64: 2, 400, 128>}, {transform_indices = @transform_1, window_bounds = array<i64: 400, 128>}, {transform_indices = @transform_2, window_bounds = array<i64: 400, 16>}, {pipeline_mode = #tpu.pipeline_mode<synchronous>, transform_indices = @transform_3, window_bounds = array<i64: 1, 128>}, {pipeline_mode = #tpu.pipeline_mode<synchronous>, transform_indices = @transform_4, window_bounds = array<i64: 128, 40>}, {transform_indices = @transform_5, window_bounds = array<i64: 400, 48>}]} {
    %get3A = arith.constant 0 : index
    %get3A_0 = arith.constant 0 : index
    %get3A_1 = vector.load %arg3[%get3A, %get3A_0] : memref<400x16xf32, #tpu.memory_space<vmem>>, vector<400x1xf32>
    %get3A_2 = arith.constant 0 : index
    %get3A_3 = arith.constant 0 : index
    %get3A_4 = arith.constant 0 : index
    %get3A_5 = vector.load %arg1[%get3A_2, %get3A_3, %get3A_4] : memref<2x400x128xf32, #tpu.memory_space<vmem>>, vector<1x400x128xf32>
    %get3A_6 = vector.shape_cast %get3A_5 : vector<1x400x128xf32> to vector<400x128xf32>
    %get3A_7 = arith.constant 1 : index
    %get3A_8 = arith.constant 0 : index
    %get3A_9 = arith.constant 0 : index
    %get3A_10 = vector.load %arg1[%get3A_7, %get3A_8, %get3A_9] : memref<2x400x128xf32, #tpu.memory_space<vmem>>, vector<1x400x128xf32>
    %get3A_11 = vector.shape_cast %get3A_10 : vector<1x400x128xf32> to vector<400x128xf32>
    %add3A = arith.addf %get3A_6, %get3A_11 : vector<400x128xf32>
    %get3A_12 = arith.constant 0 : index
    %get3A_13 = arith.constant 0 : index
    %get3A_14 = vector.load %arg2[%get3A_12, %get3A_13] : memref<400x128xf32, #tpu.memory_space<vmem>>, vector<400x128xf32>
    %add3A_15 = arith.addf %add3A, %get3A_14 : vector<400x128xf32>
    %mul3A = vector.broadcast %get3A_1 : vector<400x1xf32> to vector<400x128xf32>
    %mul3A_16 = arith.mulf %add3A_15, %mul3A : vector<400x128xf32>
    %get3A_17 = arith.constant 0 : index
    %get3A_18 = arith.constant 0 : index
    %get3A_19 = vector.load %arg4[%get3A_17, %get3A_18] : memref<1x128xf32, #tpu.memory_space<vmem>>, vector<1x128xf32>
    %add3A_20 = vector.broadcast %get3A_19 : vector<1x128xf32> to vector<400x128xf32>
    %add3A_21 = arith.addf %mul3A_16, %add3A_20 : vector<400x128xf32>
    %max3A = arith.constant 0.000000e+00 : f32
    %max3A_22 = vector.broadcast %max3A : f32 to vector<400x128xf32>
    %max3A_23 = arith.maximumf %add3A_21, %max3A_22 : vector<400x128xf32>
    %get3A_24 = arith.constant 0 : index
    %get3A_25 = arith.constant 0 : index
    %get3A_26 = vector.load %arg5[%get3A_24, %get3A_25] : memref<128x40xf32, #tpu.memory_space<vmem>>, vector<128x40xf32>
    %dot_general3A = arith.constant dense<0.000000e+00> : vector<400x40xf32>
    %dot_general3A_27 = tpu.matmul %max3A_23, %get3A_26, %dot_general3A {dimension_numbers = #tpu.dot_dimension_numbers<[1], [0], [0], [1], [0, 0, 1, 1], [], []>, transpose_lhs_hint = false} : vector<400x128xf32>, vector<128x40xf32>, vector<400x40xf32> -> vector<400x40xf32>
    %mul3A_28 = vector.broadcast %get3A_1 : vector<400x1xf32> to vector<400x40xf32>
    %mul3A_29 = arith.mulf %dot_general3A_27, %mul3A_28 : vector<400x40xf32>
    %broadcast_in_dim3A = arith.constant 0.000000e+00 : f32
    %broadcast_in_dim3A_30 = vector.broadcast %broadcast_in_dim3A : f32 to vector<400x8xf32>
    %concatenate3A = tpu.concatenate %mul3A_29, %broadcast_in_dim3A_30 in 1 : vector<400x40xf32>, vector<400x8xf32> -> vector<400x48xf32>
    %swap3A = arith.constant 0 : index
    %swap3A_31 = arith.constant 0 : index
    %swap3A_32 = vector.load %arg6[%swap3A, %swap3A_31] : memref<400x48xf32, #tpu.memory_space<vmem>>, vector<400x48xf32>
    tpu.vector_store %arg6[%swap3A, %swap3A_31], %concatenate3A {strides = array<i32>} : memref<400x48xf32, #tpu.memory_space<vmem>>, vector<400x48xf32>,
    return
  }
  func.func @transform_0(%arg0: i32) -> (i32, i32, i32) {
    %c0_i32 = arith.constant 0 : i32
    %c0_i32_0 = arith.constant 0 : i32
    %c0_i32_1 = arith.constant 0 : i32
    return %c0_i32, %arg0, %c0_i32_0 : i32, i32, i32
  }
  func.func @transform_1(%arg0: i32) -> (i32, i32) {
    %c0_i32 = arith.constant 0 : i32
    %c0_i32_0 = arith.constant 0 : i32
    return %arg0, %c0_i32 : i32, i32
  }
  func.func @transform_2(%arg0: i32) -> (i32, i32) {
    %c0_i32 = arith.constant 0 : i32
    %c0_i32_0 = arith.constant 0 : i32
    return %arg0, %c0_i32 : i32, i32
  }
  func.func @transform_3(%arg0: i32) -> (i32, i32) {
    %c0_i32 = arith.constant 0 : i32
    %c0_i32_0 = arith.constant 0 : i32
    %c0_i32_1 = arith.constant 0 : i32
    return %c0_i32, %c0_i32_0 : i32, i32
  }
  func.func @transform_4(%arg0: i32) -> (i32, i32) {
    %c0_i32 = arith.constant 0 : i32
    %c0_i32_0 = arith.constant 0 : i32
    %c0_i32_1 = arith.constant 0 : i32
    return %c0_i32, %c0_i32_0 : i32, i32
  }
  func.func @transform_5(%arg0: i32) -> (i32, i32) {
    %c0_i32 = arith.constant 0 : i32
    %c0_i32_0 = arith.constant 0 : i32
    return %arg0, %c0_i32 : i32, i32
  }
}

module attributes {stable_mosaic.version = 14 : i64} {
  func.func @body(%arg0: i32, %arg1: memref<2x400x48xf32, #tpu.memory_space<vmem>>, %arg2: memref<400x48xf32, #tpu.memory_space<vmem>>, %arg3: memref<400x16xf32, #tpu.memory_space<vmem>>, %arg4: memref<1x40xf32, #tpu.memory_space<vmem>>, %arg5: memref<400x40xf32, #tpu.memory_space<vmem>>) attributes {dimension_semantics = [#tpu.dimension_semantics<arbitrary>], iteration_bounds = array<i64: 25>, scalar_prefetch = 0 : i64, scratch_operands = 0 : i64, tpu.core_type = #tpu.core_type<tc>, window_params = [{transform_indices = @transform_0, window_bounds = array<i64: 2, 400, 48>}, {transform_indices = @transform_1, window_bounds = array<i64: 400, 48>}, {transform_indices = @transform_2, window_bounds = array<i64: 400, 16>}, {pipeline_mode = #tpu.pipeline_mode<synchronous>, transform_indices = @transform_3, window_bounds = array<i64: 1, 40>}, {transform_indices = @transform_4, window_bounds = array<i64: 400, 40>}]} {
    %get3A = arith.constant 0 : index
    %get3A_0 = arith.constant 0 : index
    %get3A_1 = vector.load %arg3[%get3A, %get3A_0] : memref<400x16xf32, #tpu.memory_space<vmem>>, vector<400x1xf32>
    %get3A_2 = arith.constant 0 : index
    %get3A_3 = arith.constant 0 : index
    %get3A_4 = arith.constant 0 : index
    %get3A_5 = vector.load %arg1[%get3A_2, %get3A_3, %get3A_4] : memref<2x400x48xf32, #tpu.memory_space<vmem>>, vector<1x400x48xf32>
    %get3A_6 = vector.shape_cast %get3A_5 : vector<1x400x48xf32> to vector<400x48xf32>
    %get3A_7 = arith.constant 1 : index
    %get3A_8 = arith.constant 0 : index
    %get3A_9 = arith.constant 0 : index
    %get3A_10 = vector.load %arg1[%get3A_7, %get3A_8, %get3A_9] : memref<2x400x48xf32, #tpu.memory_space<vmem>>, vector<1x400x48xf32>
    %get3A_11 = vector.shape_cast %get3A_10 : vector<1x400x48xf32> to vector<400x48xf32>
    %add3A = arith.addf %get3A_6, %get3A_11 : vector<400x48xf32>
    %get3A_12 = arith.constant 0 : index
    %get3A_13 = arith.constant 0 : index
    %get3A_14 = vector.load %arg2[%get3A_12, %get3A_13] : memref<400x48xf32, #tpu.memory_space<vmem>>, vector<400x48xf32>
    %add3A_15 = arith.addf %add3A, %get3A_14 : vector<400x48xf32>
    %slice3A = vector.extract_strided_slice %add3A_15 {offsets = [0, 0], sizes = [400, 40], strides = [1, 1]} : vector<400x48xf32> to vector<400x40xf32>
    %mul3A = vector.broadcast %get3A_1 : vector<400x1xf32> to vector<400x40xf32>
    %mul3A_16 = arith.mulf %slice3A, %mul3A : vector<400x40xf32>
    %get3A_17 = arith.constant 0 : index
    %get3A_18 = arith.constant 0 : index
    %get3A_19 = vector.load %arg4[%get3A_17, %get3A_18] : memref<1x40xf32, #tpu.memory_space<vmem>>, vector<1x40xf32>
    %add3A_20 = vector.broadcast %get3A_19 : vector<1x40xf32> to vector<400x40xf32>
    %add3A_21 = arith.addf %mul3A_16, %add3A_20 : vector<400x40xf32>
    %reduce_max3A = arith.constant dense<0xFF800000> : vector<400xf32>
    %reduce_max3A_22 = vector.multi_reduction <maximumf>, %add3A_21, %reduce_max3A [1] : vector<400x40xf32> to vector<400xf32>
    %broadcast_in_dim3A = vector.shape_cast %reduce_max3A_22 : vector<400xf32> to vector<400x1xf32>
    %sub3A = vector.broadcast %broadcast_in_dim3A : vector<400x1xf32> to vector<400x40xf32>
    %sub3A_23 = arith.subf %add3A_21, %sub3A : vector<400x40xf32>
    %exp3A = math.exp %sub3A_23 : vector<400x40xf32>
    %reduce_sum3A = arith.constant dense<0.000000e+00> : vector<400xf32>
    %reduce_sum3A_24 = vector.multi_reduction <add>, %exp3A, %reduce_sum3A [1] : vector<400x40xf32> to vector<400xf32>
    %broadcast_in_dim3A_25 = vector.shape_cast %reduce_sum3A_24 : vector<400xf32> to vector<400x1xf32>
    %log3A = math.log %broadcast_in_dim3A_25 : vector<400x1xf32>
    %sub3A_26 = vector.broadcast %broadcast_in_dim3A : vector<400x1xf32> to vector<400x40xf32>
    %sub3A_27 = arith.subf %add3A_21, %sub3A_26 : vector<400x40xf32>
    %sub3A_28 = vector.broadcast %log3A : vector<400x1xf32> to vector<400x40xf32>
    %sub3A_29 = arith.subf %sub3A_27, %sub3A_28 : vector<400x40xf32>
    %swap3A = arith.constant 0 : index
    %swap3A_30 = arith.constant 0 : index
    %swap3A_31 = vector.load %arg5[%swap3A, %swap3A_30] : memref<400x40xf32, #tpu.memory_space<vmem>>, vector<400x40xf32>
    tpu.vector_store %arg5[%swap3A, %swap3A_30], %sub3A_29 {strides = array<i32>} : memref<400x40xf32, #tpu.memory_space<vmem>>, vector<400x40xf32>,
    return
  }
  func.func @transform_0(%arg0: i32) -> (i32, i32, i32) {
    %c0_i32 = arith.constant 0 : i32
    %c0_i32_0 = arith.constant 0 : i32
    %c0_i32_1 = arith.constant 0 : i32
    return %c0_i32, %arg0, %c0_i32_0 : i32, i32, i32
  }
  func.func @transform_1(%arg0: i32) -> (i32, i32) {
    %c0_i32 = arith.constant 0 : i32
    %c0_i32_0 = arith.constant 0 : i32
    return %arg0, %c0_i32 : i32, i32
  }
  func.func @transform_2(%arg0: i32) -> (i32, i32) {
    %c0_i32 = arith.constant 0 : i32
    %c0_i32_0 = arith.constant 0 : i32
    return %arg0, %c0_i32 : i32, i32
  }
  func.func @transform_3(%arg0: i32) -> (i32, i32) {
    %c0_i32 = arith.constant 0 : i32
    %c0_i32_0 = arith.constant 0 : i32
    %c0_i32_1 = arith.constant 0 : i32
    return %c0_i32, %c0_i32_0 : i32, i32
  }
  func.func @transform_4(%arg0: i32) -> (i32, i32) {
    %c0_i32 = arith.constant 0 : i32
    %c0_i32_0 = arith.constant 0 : i32
    return %arg0, %c0_i32 : i32, i32
  }
}

</mosaic_0001>

<sc_bundles>
// kernel: kernel.11.cloned.1.call-start
scs
__scs_entry_jumppad:
0x0: {  	(pc) =	sbr.rel $0x88, $3  }
0x1: {  	(tag) =	ssettag $0x0;
	lr =	simm.s32 $0x1  }
0x2: {  	[smem:$0x3F9B] =	sst lr;
	_ =	strace $0xD0000000  }
0x3: {  	_ = 	snop  }
0x4: {  	_ = 	snop  }
0x5: {  	_ = 	snop  }
0x6: {  	_ = 	snop  }
0x7: {  	_ = 	snop  }
__scs_overlays_trampoline_lowered:
0x8: {  	[smem:$0x3FAA] =	sst s0  }
0x9: {  	[smem:$0x3FAB] =	sst s1  }
0xa: {  	[smem:$0x3FAC] =	sst s2  }
0xb: {  	[smem:$0x3FAD] =	sst s3  }
0xc: {  	[smem:$0x3FAE] =	sst s4  }
0xd: {  	[smem:$0x3FAF] =	sst s5  }
0xe: {  	[smem:$0x3FB0] =	sst s6  }
0xf: {  	[smem:$0x3FB1] =	sst s7  }
0x10: {  	[smem:$0x3FB2] =	sst s8  }
0x11: {  	[smem:$0x3FB3] =	sst s9;
	s0 =	simm.s32 @!p0 $0x0  }
0x12: {  	s1 =	sld [smem:$0x3F99];
	s0 =	simm.s32 @p0 $0x1  }
0x13: {  	[smem:$0x3FB4] =	sst s0;
	s0 =	simm.s32 @!p1 $0x0  }
0x14: {  	s2 =	sld [smem:$0x3F98];
	s0 =	simm.s32 @p1 $0x1  }
0x15: {  	[smem:$0x3FB5] =	sst s0;
	s0 =	simm.s32 @!p2 $0x0  }
0x16: {  	s3 =	sld [smem:$0x3FDB];
	s0 =	simm.s32 @p2 $0x1  }
0x17: {  	s4 =	simm.s32 $0x1BF5;
	[smem:$0x3FB7] =	sst s0  }
0x18: {  	s0 =	sld [smem:$0x3F9A];
	_ =	swait.ge [sflag:s4], $0x0  }
0x19: {  	s7 =	sld [smem:$0x3F9B]  }
0x1a: {  	s8 =	sadd.s32 $0xFFFFE003, lr  }
0x1b: {  	s9 =	sadd.s32 $0xFFFFFEF7, lr;
	s5 =	simm.s32 $0xFFFFFFFF;
	p2 =	slt.u32 s8, $0xFFFFF086  }
0x1c: {  	p1 =	slt.u32 s9, $0xF7A;
	s5 =	simm.s32 @!p2 $0x0  }
0x1d: {  	s5 =	simm.s32 @p1 $0x1;
	p0 =	seq.s32 s7, s2  }
0x1e: {  	s7 =	smul.u32 @!p0 $0xF7A, s2;
	p2 =	seq.s32 @!p0 s5, $0x0  }
0x1f: {  	s9 =	smul.u32 $0xF7A, s1;
	s8 =	simm.s32 @!p0 $0x1BF5;
	p2 =	por !p2, p0  }
0x20: {  	[sflag:s8] =	ssyncset.s32 @!p0 $0xFFFFF086;
	s6 =	sadd.s32 @!p0 s3, s7;
	s7 =	simm.s32 @!p0 $0x108  }
0x21: {  	s3 =	sadd.s32 s3, s9;
	s6 =	sadd.s32 @!p0 $0x88, s6;
	s7 =	simm.s32 @p2 $0x1082  }
0x22: {  	[simem:s7], [sflag:s8] =	dma.local @!p0 [hbm:s6], $0xF7A  }
0x23: {  	s9 =	sor.u32 $0xD0000000, s2;
	s6 =	simm.s32 $0x108;
	_ =	swait.ge @!p0 [sflag:s8], $0x0  }
0x24: {  	s3 =	sadd.s32 $0x88, s3;
	s6 =	simm.s32 @!p1 $0x1082;
	[sflag:s4] =	ssyncset.s32 $0xFFFFF086  }
0x25: {  	[simem:s6], [sflag:s4] =	dma.local [hbm:s3], $0xF7A  }
0x26: {  	[smem:$0x3F9B] =	sst s1;
	(tag) =	ssettag s2;
	_ =	strace s9  }
0x27: {  	s1 =	sld [smem:$0x3FAB]  }
0x28: {  	s2 =	sld [smem:$0x3FAC]  }
0x29: {  	s4 =	sld [smem:$0x3FAE]  }
0x2a: {  	p0 =	seq.s32 s5, $0x0;
	s5 =	sld [smem:$0x3FAF]  }
0x2b: {  	s6 =	sld [smem:$0x3FB0]  }
0x2c: {  	s7 =	sld [smem:$0x3FB1]  }
0x2d: {  	s3 =	simm.s32 $0x108;
	s8 =	sld [smem:$0x3FB2]  }
0x2e: {  	s3 =	simm.s32 @!p0 $0x1082;
	s9 =	sld [smem:$0x3FB3]  }
0x2f: {  	lr =	sadd.s32 s0, s3;
	s0 =	sld [smem:$0x3FAA]  }
0x30: {  	s3 =	sld [smem:$0x3FAD]  }
0x31: {  	[smem:$0x3FB6] =	sst s10  }
0x32: {  	s10 =	sld [smem:$0x3FB4];
	_ =	sdelay $0x3  }
0x33: {  	p0 =	seq.s32 s10, $0x1;
	s10 =	sld [smem:$0x3FB6];
	_ =	sdelay $0x3  }
0x34: {  	[smem:$0x3FB6] =	sst s10  }
0x35: {  	s10 =	sld [smem:$0x3FB5];
	_ =	sdelay $0x3  }
0x36: {  	p1 =	seq.s32 s10, $0x1;
	s10 =	sld [smem:$0x3FB6];
	_ =	sdelay $0x3  }
0x37: {  	[smem:$0x3FB6] =	sst s10  }
0x38: {  	s10 =	sld [smem:$0x3FB7]  }
0x39: {  	_ = 	snop;
	(pc) =	sbr.ind lr, $3  }
0x3a: {  	_ = 	snop  }
0x3b: {  	_ = 	snop  }
0x3c: {  	p2 =	seq.s32 s10, $0x1;
	s10 =	sld [smem:$0x3FB6]  }
0x3d: {  	_ =	shalt  }
0x3e: {  	_ =	shalt  }
0x3f: {  	_ =	shalt  }
0x40: {  	_ =	shalt  }
0x41: {  	_ =	shalt  }
0x42: {  	_ =	shalt  }
0x43: {  	_ =	shalt  }
0x44: {  	_ =	shalt  }
0x45: {  	_ =	shalt  }
0x46: {  	_ =	shalt  }
0x47: {  	_ =	shalt  }
0x48: {  	_ =	shalt  }
0x49: {  	_ =	shalt  }
0x4a: {  	_ =	shalt  }
0x4b: {  	_ =	shalt  }
0x4c: {  	_ =	shalt  }
0x4d: {  	_ =	shalt  }
0x4e: {  	_ =	shalt  }
0x4f: {  	_ =	shalt  }
0x50: {  	_ =	shalt  }
0x51: {  	_ =	shalt  }
0x52: {  	_ =	shalt  }
0x53: {  	_ =	shalt  }
0x54: {  	_ =	shalt  }
0x55: {  	_ =	shalt  }
0x56: {  	_ =	shalt  }
0x57: {  	_ =	shalt  }
0x58: {  	_ =	shalt  }
0x59: {  	_ =	shalt  }
0x5a: {  	_ =	shalt  }
0x5b: {  	_ =	shalt  }
0x5c: {  	_ =	shalt  }
0x5d: {  	_ =	shalt  }
0x5e: {  	_ =	shalt  }
0x5f: {  	_ =	shalt  }
0x60: {  	_ =	shalt  }
0x61: {  	_ =	shalt  }
0x62: {  	_ =	shalt  }
0x63: {  	_ =	shalt  }
0x64: {  	_ =	shalt  }
0x65: {  	_ =	shalt  }
0x66: {  	_ =	shalt  }
0x67: {  	_ =	shalt  }
0x68: {  	_ =	shalt  }
0x69: {  	_ =	shalt  }
0x6a: {  	_ =	shalt  }
0x6b: {  	_ =	shalt  }
0x6c: {  	_ =	shalt  }
0x6d: {  	_ =	shalt  }
0x6e: {  	_ =	shalt  }
0x6f: {  	_ =	shalt  }
0x70: {  	_ =	shalt  }
0x71: {  	_ =	shalt  }
0x72: {  	_ =	shalt  }
0x73: {  	_ =	shalt  }
0x74: {  	_ =	shalt  }
0x75: {  	_ =	shalt  }
0x76: {  	_ =	shalt  }
0x77: {  	_ =	shalt  }
0x78: {  	_ =	shalt  }
0x79: {  	_ =	shalt  }
0x7a: {  	_ =	shalt  }
0x7b: {  	_ =	shalt  }
0x7c: {  	_ =	shalt  }
0x7d: {  	_ =	shalt  }
0x7e: {  	_ =	shalt  }
0x7f: {  	_ =	shalt  }
0x80: {  	_ =	shalt  }
0x81: {  	_ =	shalt  }
0x82: {  	_ =	shalt  }
0x83: {  	_ =	shalt  }
0x84: {  	_ =	shalt  }
0x85: {  	_ =	shalt  }
0x86: {  	_ =	shalt  }
0x87: {  	_ =	shalt  }
.Lfunc_end0:
.L_simem_size_0:
called_computation.1_lowered:
.L_overlay_start_0:
0x88: {  	s2 =	sld [smem:$0x3FD9]  }
0x89: {  	s3 =	sld [smem:$0x3FFE];
	_ =	sdelay $0x1  }
0x8a: {  	s1 =	srdreg.scid  }
0x8b: {  	s0 =	sand.u32 $0x1, s1  }
0x8c: {  	s16 =	sshll.u32 s0, $0xA;
	s2 =	sadd.s32 s3, s2  }
0x8d: {  	s2 =	sadd.s32 s2, s16  }
0x8e: {  	[smem:$0x3FC2] =	sst s2  }
0x8f: {  	_ = 	snop  }
0x90: {  	(tm) =	ssettm $0x1  }
0x91: {  	s17 =	sld [smem:$0x3FFB];
	_ =	sdelay $0x3  }
0x92: {  	_ =	strace s17  }
0x93: {  	s2 =	sld [smem:$0x3FFC];
	_ =	sdelay $0x3  }
0x94: {  	_ =	strace s2  }
0x95: {  	s2 =	sld [smem:$0x3FFD];
	_ =	sdelay $0x3  }
0x96: {  	_ =	strace s2  }
0x97: {  	_ =	strace $0x8FFFFFFF  }
0x98: {  	s18 =	sld [smem:$0x3FDB];
	_ =	sdelay $0x1  }
0x99: {  	s19 =	simm.s32 $_scs_section_size  }
0x9a: {  	s4 =	simm.s32 $_size__tile_overlayer_lowered;
	s5 =	simm.s32 $_tile_overlayer_lowered  }
0x9b: {  	s22 =	simm.s32 $0x1BFF;
	s21 =	sshll.u32 s5, $0x1;
	s2 =	sadd.s32 s19, s18  }
0x9c: {  	s6 =	simm.s32 $0x0;
	s20 =	sshll.u32 s4, $0x1;
	s4 =	sadd.s32 s21, s2  }
0x9d: {  	[timem:s6], [sflag:s22] =	dma.local [hbm:s4], s20  }
0x9e: {  	_ =	swait.ge [sflag:s22], s20  }
0x9f: {  	s3 =	ssub.s32 $0x0, s20;
	[sflag:s22] =	ssyncset.done $0x0  }
0xa0: {  	[sflag:s22] =	ssyncadd.s32 s3;
	_ =	sdelay $0x1  }
0xa1: {  	s23 =	simm.s32 $0x1B8B  }
0xa2: {  	_ =	swait.ge [sflag:s23], $0x1  }
0xa3: {  	[sflag:s23] =	ssyncset.done $0x0  }
0xa4: {  	s25 =	simm.s32 $0x1B8E;
	s24 =	sld [smem:$0x3FFE];
	[sflag:s23] =	ssyncadd.s32 $0xFFFFFFFF  }
0xa5: {  	s26 =	simm.s32 $execute0_lowered;
	[smem:$0x3FD2] =	sst s25  }
0xa6: {  	s4 =	sshll.u32 s26, $0x1;
	_ =	strace $0x80000049;
	[dreg:$0x1] =	wrdreg $0xFFFFFFFF  }
0xa7: {  	s28 =	simm.s32 $_size_execute0_lowered;
	s2 =	sadd.s32 s2, s4;
	[dreg:$0x0] =	wrdreg $0x0  }
0xa8: {  	s4 =	sshll.u32 s28, $0x1;
	[dreg:$0x2] =	wrdreg s2  }
0xa9: {  	[dreg:$0x3] =	wrdreg s4  }
0xaa: {  	[dreg:$0x4] =	wrdreg $0xC0  }
0xab: {  	_ =	task [dreg:s6], $0x5FFFF  }
0xac: {  	[dreg:$0x1] =	wrdreg $0xFFFFFFFF  }
0xad: {  	[dreg:$0x0] =	wrdreg $0x60  }
0xae: {  	[dreg:$0x2] =	wrdreg s24  }
0xaf: {  	[dreg:$0x3] =	wrdreg $0xC1C00  }
0xb0: {  	[dreg:$0x4] =	wrdreg $0x9  }
0xb1: {  	_ =	task.clear_ibuf [dreg:s6], $0x5FFFF;
	_ =	strace $0x90000049  }
0xb2: {  	s29 =	simm.s32 $0x9;
	_ =	strace $0x8000004B  }
0xb3: {  	_ =	swait.ge [sflag:s29], $0x1  }
0xb4: {  	[sflag:s29] =	ssyncadd.s32 $0xFFFFFFFF  }
0xb5: {  	_ =	strace $0x9000004B  }
0xb6: {  	_ =	sfence  }
0xb7: {  	s30 =	sld [smem:$0x0];
	_ =	sdelay $0x2  }
0xb8: {  	s31 =	sshll.u32 s1, $0xD;
	s1 =	sshrl.u32 s1, $0x2  }
0xb9: {  	s3 =	sand.u32 $0x4000, s31;
	s1 =	sadd.s32 s1, s30  }
0xba: {  	s0 =	sor.u32 s3, s0;
	s1 =	sshll.u32 s1, $0x11  }
0xbb: {  	s0 =	sor.u32 s1, s0  }
0xbc: {  	s0 =	sadd.s32 $0x8F2B, s0  }
0xbd: {  	[sflag:s0] =	ssyncadd.remote.s32 $0x1  }
0xbe: {  	_ =	sfence.sel $0xFFFF  }
0xbf: {  	[dreg:$0x0] =	wrdreg $0xFFFFFFFF;
	(pc) =	sbr.abs _section_cstart, $3  }
0xc0: {  	[dreg:$0x1] =	wrdreg $0xFFFFFFFF  }
0xc1: {  	_ =	task.clear_ibuf [dreg:s6], $0x2FFFF;
	_ =	strace $0x9FFFFFFF  }
0xc2: {  	(tm) =	ssettm $0x7FFFFFFF  }
0xc3: {  	_ =	shalt  }
tec
execute0_lowered:
.L_overlay_start_1:
0x0: {  	(tag) =	ssettag $0x1  }
0x1: {  	s6 =	rddreg [dreg:$0x0]  }
0x2: {  	s0 =	srdreg.scid;
	s2 =	rddreg [dreg:$0x1];
	s3 =	simm.s32 $0x0  }
0x3: {  	s12 =	simm.s32 $0x28A0;
	s13 =	simm.s32 $0x64;
	s14 =	simm.s32 $0x5140  }
0x4: {  	s15 =	simm.s32 $0x8340;
	s16 =	simm.s32 $0x1;
	s17 =	simm.s32 $0x2  }
0x5: {  	s18 =	simm.s32 $0x2838;
	s19 =	simm.s32 $0x5070;
	s5 =	sand.u32 $0x1, s0  }
0x6: {  	s20 =	simm.s32 $0x50D8;
	s0 =	stileid.u32;
	s8 =	smul.u32 $0x138800, s5  }
0x7: {  	[smem:$0x7FF] =	sst s3;
	s1 =	sshll.u32 s5, $0x4;
	s9 =	smul.u32 $0x13880, s0  }
0x8: {  	s5 =	ssub.s32 $0x2, s5;
	s11 =	smul.u32 $0x4E200, s0;
	s1 =	sor.u32 s0, s1  }
0x9: {  	s4 =	sadd.s32 $0x16800, s6;
	s10 =	sshrl.u32 s5, $0x1;
	s7 =	smul.u32 $0x28A0, s1  }
0xa: {  	s1 =	rddreg [dreg:$0x2];
	_ =	strace $0x8000004A;
	s8 =	sadd.s32 s9, s8  }
0xb: {  	s10 =	ssub.s32 s5, s10;
	s11 =	sshrl.u32 s11, $0x2;
	s21 =	sadd.s32 s9, s2  }
0xc: {  	s8 =	sshrl.u32 s8, $0x3;
	s9 =	sadd.s32 s11, s2;
	s7 =	sshrl.u32 s7, $0x3  }
0xd: {  	s11 =	simm.s32 $0x3;
	s21 =	sshrl.u32 s21, $0x3;
	s7 =	sadd.s32 s7, s6  }
0xe: {  	s8 =	sadd.s32 s8, s6;
	s5 =	sadd.s32 $0x2200, s7;
	s6 =	sadd.s32 $0xC480, s7  }
0xf: {  	v0 =	vimm.f32 $0.0e+00;
	s7 =	sadd.s32 $0x3DA00, s8;
	s8 =	smax.u32 s10, $0x1;
	s10 =	simm.s32 $0xB540  }
.LBB2_1:
0x10: {  	s22 =	simm.s32 $0x0;
	s23 =	simm.s32 $0x200  }
.LBB2_2:
0x11: {  	p0 =	sne.s32 s23, $0x3000;
	[tilespmem:s22+$0xB5B0] =	vst v0  }
0x12: {  	[tilespmem:s22+$0xB540] =	vst v0  }
0x13: {  	[tilespmem:s22+$0xB550] =	vst v0  }
.Ltmp0:
0x14: {  	[tilespmem:s22+$0xB560] =	vst v0;
	(pc) =	sbr.rel @p0 .LBB2_2-.Ltmp0, $4  }
0x15: {  	[tilespmem:s22+$0xB570] =	vst v0  }
0x16: {  	[tilespmem:s22+$0xB580] =	vst v0  }
0x17: {  	[tilespmem:s22+$0xB590] =	vst v0  }
0x18: {  	[tilespmem:s22+$0xB5A0] =	vst v0;
	s22 =	sshra.s32 s23, $0x2;
	s23 =	sadd.s32 $0x200, s23  }
0x19: {  	[tilespmem:s22+$0xB5B0] =	vst v0  }
0x1a: {  	[tilespmem:s22+$0xB540] =	vst v0  }
0x1b: {  	[tilespmem:s22+$0xB550] =	vst v0  }
0x1c: {  	[tilespmem:s22+$0xB560] =	vst v0  }
0x1d: {  	[tilespmem:s22+$0xB570] =	vst v0  }
0x1e: {  	[tilespmem:s22+$0xB580] =	vst v0  }
0x1f: {  	[tilespmem:s22+$0xB590] =	vst v0  }
0x20: {  	[tilespmem:s22+$0xB5A0] =	vst v0;
	s31 =	sadd.s32 $0x0, s9  }
0x21: {  	[spmem:s31] =	stream.linear.scatter [tilespmem:s10], [sflag:$0x3], $0xC80, $0x38;
	[tilespmem:$0x1FA40] =	vst v63  }
0x22: {  	s22 =	simm.s32 $0x3200;
	_ =	swait.ge [sflag:s11], $0xC80  }
.LBB2_4:
0x23: {  	s23 =	sshra.s32 s22, $0x2;
	[sflag:s11] =	ssyncset.done $0x0;
	p0 =	sne.s32 s22, $0x4B000  }
.Ltmp1:
0x24: {  	s23 =	sadd.s32 s23, s9;
	[sflag:s11] =	ssyncadd.s32 $0xFFFFF380;
	(pc) =	sbr.rel @p0 .LBB2_4-.Ltmp1, $3  }
0x25: {  	[spmem:s23] =	stream.linear.scatter [tilespmem:s10], [sflag:$0x3], $0xC80, $0x38;
	[tilespmem:$0x1FA40] =	vst v63  }
0x26: {  	s22 =	sadd.s32 $0x3200, s22;
	_ =	sdelay $0x1  }
0x27: {  	_ =	swait.ge [sflag:s11], $0xC80  }
0x28: {  	[sflag:s11] =	ssyncset.done $0x0  }
0x29: {  	[sflag:s11] =	ssyncadd.s32 $0xFFFFF380  }
0x2a: {  	s22 =	simm.s32 $0x0;
	[bflag:$0x0] =	sbarrier.arrive $0xFFFF  }
0x2b: {  	[tilespmem:s22], [sflag:$0x3] =	stream.linear.gather [hbm4b:s5+s22], $0x28A0, $0x38;
	[tilespmem:$0x1FA40] =	vst v63  }
0x2c: {  	_ =	swait.ge [sflag:s11], $0x28A0  }
0x2d: {  	[sflag:s11] =	ssyncset.done $0x0  }
0x2e: {  	[sflag:s11] =	ssyncadd.s32 $0xFFFFD760  }
0x2f: {  	[tilespmem:s12], [sflag:$0x3] =	stream.linear.gather [hbm4b:s6+s22], $0x28A0, $0x38;
	[tilespmem:$0x1FA40] =	vst v63  }
0x30: {  	_ =	swait.ge [sflag:s11], $0x28A0  }
0x31: {  	[sflag:s11] =	ssyncset.done $0x0  }
0x32: {  	[sflag:s11] =	ssyncadd.s32 $0xFFFFD760  }
0x33: {  	[tilespmem:s14], [sflag:$0x1] =	stream.indirect.gather [hbm4b:s4+s13], $0x80, s22, s13, $0xb8;
	[tilespmem:$0x1FA40] =	vst v63  }
0x34: {  	s28 =	simm.s32 $0x68  }
0x35: {  	[tilespmem:s15], [sflag:$0x2] =	stream.indirect.gather [hbm4b:s4+s13], $0x80, s28, s13, $0xb8;
	[tilespmem:$0x1FA40] =	vst v63  }
0x36: {  	_ =	swait.ge [sflag:s16], $0x3200  }
0x37: {  	[sflag:s16] =	ssyncset.done $0x0  }
0x38: {  	s29 =	simm.s32 $0x28A0;
	[sflag:s16] =	ssyncadd.s32 $0xFFFFCE00  }
0x39: {  	[spmem:s2] =	stream.indirect.scatter.add.f32 [tilespmem:s14], [sflag:$0x3], $0x80, s29, s13, $0xb8;
	[tilespmem:$0x1FA40] =	vst v63  }
0x3a: {  	_ =	swait.ge [sflag:s11], $0x3200  }
0x3b: {  	[sflag:s11] =	ssyncset.done $0x0  }
0x3c: {  	s30 =	simm.s32 $0xD0;
	[sflag:s11] =	ssyncadd.s32 $0xFFFFCE00  }
0x3d: {  	[tilespmem:s14], [sflag:$0x1] =	stream.indirect.gather [hbm4b:s4+s13], $0x80, s30, s13, $0xb8;
	[tilespmem:$0x1FA40] =	vst v63  }
0x3e: {  	_ =	swait.ge [sflag:s17], $0x3200  }
0x3f: {  	[sflag:s17] =	ssyncset.done $0x0  }
0x40: {  	s31 =	simm.s32 $0x2908;
	[sflag:s17] =	ssyncadd.s32 $0xFFFFCE00  }
0x41: {  	[spmem:s2] =	stream.indirect.scatter.add.f32 [tilespmem:s15], [sflag:$0x3], $0x80, s31, s13, $0xb8;
	[tilespmem:$0x1FA40] =	vst v63  }
0x42: {  	_ =	swait.ge [sflag:s11], $0x3200  }
0x43: {  	s23 =	simm.s32 $0x680;
	s22 =	simm.s32 $0xD0;
	[sflag:s11] =	ssyncset.done $0x0  }
.LBB2_6:
0x44: {  	s24 =	sadd.s32 $0x68, s22  }
0x45: {  	[sflag:s11] =	ssyncadd.s32 $0xFFFFCE00;
	s25 =	smov.u32 s23;
	s26 =	sadd.s32 $0x340, s23  }
0x46: {  	[tilespmem:s15], [sflag:$0x2] =	stream.indirect.gather [hbm4b:s4+s13], $0x80, s24, s13, $0xb8;
	[tilespmem:$0x1FA40] =	vst v63  }
0x47: {  	p0 =	sne.s32 s23, $0x9C00;
	_ =	swait.ge [sflag:s16], $0x3200  }
0x48: {  	[sflag:s16] =	ssyncset.done $0x0  }
0x49: {  	s23 =	sadd.s32 $0x28A0, s22;
	[sflag:s16] =	ssyncadd.s32 $0xFFFFCE00  }
0x4a: {  	[spmem:s2] =	stream.indirect.scatter.add.f32 [tilespmem:s14], [sflag:$0x3], $0x80, s23, s13, $0xb8;
	[tilespmem:$0x1FA40] =	vst v63  }
0x4b: {  	_ =	swait.ge [sflag:s11], $0x3200  }
0x4c: {  	[sflag:s11] =	ssyncset.done $0x0  }
0x4d: {  	s23 =	sadd.s32 $0xD0, s22;
	[sflag:s11] =	ssyncadd.s32 $0xFFFFCE00  }
0x4e: {  	[tilespmem:s14], [sflag:$0x1] =	stream.indirect.gather [hbm4b:s4+s13], $0x80, s23, s13, $0xb8;
	[tilespmem:$0x1FA40] =	vst v63  }
0x4f: {  	_ =	swait.ge [sflag:s17], $0x3200  }
.Ltmp2:
0x50: {  	[sflag:s17] =	ssyncset.done $0x0;
	(pc) =	sbr.rel @p0 .LBB2_6-.Ltmp2, $4  }
0x51: {  	s22 =	sadd.s32 $0x2908, s22;
	[sflag:s17] =	ssyncadd.s32 $0xFFFFCE00  }
0x52: {  	[spmem:s2] =	stream.indirect.scatter.add.f32 [tilespmem:s15], [sflag:$0x3], $0x80, s22, s13, $0xb8;
	[tilespmem:$0x1FA40] =	vst v63  }
0x53: {  	_ =	swait.ge [sflag:s11], $0x3200  }
0x54: {  	s23 =	smov.u32 s26;
	s22 =	sshra.s32 s25, $0x2;
	[sflag:s11] =	ssyncset.done $0x0  }
0x55: {  	s23 =	sadd.s32 $0x68, s22;
	[sflag:s11] =	ssyncadd.s32 $0xFFFFCE00  }
0x56: {  	[tilespmem:s15], [sflag:$0x2] =	stream.indirect.gather [hbm4b:s4+s13], $0x80, s23, s13, $0xb8;
	[tilespmem:$0x1FA40] =	vst v63  }
0x57: {  	_ =	swait.ge [sflag:s16], $0x3200  }
0x58: {  	[sflag:s16] =	ssyncset.done $0x0  }
0x59: {  	s28 =	sadd.s32 $0x28A0, s22;
	[sflag:s16] =	ssyncadd.s32 $0xFFFFCE00  }
0x5a: {  	[spmem:s2] =	stream.indirect.scatter.add.f32 [tilespmem:s14], [sflag:$0x3], $0x80, s28, s13, $0xb8;
	[tilespmem:$0x1FA40] =	vst v63  }
0x5b: {  	_ =	swait.ge [sflag:s11], $0x3200  }
0x5c: {  	[sflag:s11] =	ssyncset.done $0x0  }
0x5d: {  	s29 =	sadd.s32 $0xD0, s22;
	[sflag:s11] =	ssyncadd.s32 $0xFFFFCE00  }
0x5e: {  	[tilespmem:s14], [sflag:$0x1] =	stream.indirect.gather [hbm4b:s4+s13], $0x80, s29, s13, $0xb8;
	[tilespmem:$0x1FA40] =	vst v63  }
0x5f: {  	_ =	swait.ge [sflag:s17], $0x3200  }
0x60: {  	[sflag:s17] =	ssyncset.done $0x0  }
0x61: {  	s30 =	sadd.s32 $0x2908, s22;
	[sflag:s17] =	ssyncadd.s32 $0xFFFFCE00  }
0x62: {  	[spmem:s2] =	stream.indirect.scatter.add.f32 [tilespmem:s15], [sflag:$0x3], $0x80, s30, s13, $0xb8;
	[tilespmem:$0x1FA40] =	vst v63  }
0x63: {  	_ =	swait.ge [sflag:s11], $0x3200  }
0x64: {  	[sflag:s11] =	ssyncset.done $0x0  }
0x65: {  	[sflag:s11] =	ssyncadd.s32 $0xFFFFCE00  }
0x66: {  	[tilespmem:s15], [sflag:$0x2] =	stream.indirect.gather [hbm4b:s4+s13], $0x80, s18, s13, $0xb8;
	[tilespmem:$0x1FA40] =	vst v63  }
0x67: {  	_ =	swait.ge [sflag:s16], $0x3200  }
0x68: {  	[sflag:s16] =	ssyncset.done $0x0  }
0x69: {  	[sflag:s16] =	ssyncadd.s32 $0xFFFFCE00  }
0x6a: {  	[spmem:s2] =	stream.indirect.scatter.add.f32 [tilespmem:s14], [sflag:$0x3], $0x80, s19, s13, $0xb8;
	[tilespmem:$0x1FA40] =	vst v63  }
0x6b: {  	_ =	swait.ge [sflag:s11], $0x3200  }
0x6c: {  	[sflag:s11] =	ssyncset.done $0x0  }
0x6d: {  	[sflag:s11] =	ssyncadd.s32 $0xFFFFCE00  }
0x6e: {  	_ =	swait.ge [sflag:s17], $0x3200  }
0x6f: {  	[sflag:s17] =	ssyncset.done $0x0  }
0x70: {  	[sflag:s17] =	ssyncadd.s32 $0xFFFFCE00  }
0x71: {  	[spmem:s2] =	stream.indirect.scatter.add.f32 [tilespmem:s15], [sflag:$0x3], $0x80, s20, s13, $0xb8;
	[tilespmem:$0x1FA40] =	vst v63  }
0x72: {  	_ =	swait.ge [sflag:s11], $0x3200  }
0x73: {  	s3 =	sadd.s32 $0x1, s3;
	[sflag:s11] =	ssyncset.done $0x0  }
0x74: {  	s31 =	sshll.u32 s0, $0x6;
	p0 =	sne.s32 s3, s8;
	[sflag:s11] =	ssyncadd.s32 $0xFFFFCE00  }
.Ltmp3:
0x75: {  	s22 =	sor.u32 $0x1C03, s31;
	[bflag:$0x0] =	sbarrier.arrive $0xFFFF;
	(pc) =	sbr.rel @p0 .LBB2_1-.Ltmp3, $4  }
0x76: {  	[hbm:s7], [sflag:s22] =	dma.local [spmem:s21], $0x2710  }
0x77: {  	_ =	swait.ge [sflag:s11], $0x2710  }
0x78: {  	[sflag:s11] =	ssyncset.done $0x0  }
0x79: {  	[sflag:s11] =	ssyncadd.s32 $0xFFFFD8F0  }
0x7a: {  	_ =	sfence.sel $0x180000  }
0x7b: {  	[bflag:$0x0] =	sbarrier.arrive $0xFFFF  }
0x7c: {  	p0 =	sne.s32 s0, $0x0;
	_ =	strace $0x9000004A  }
0x7d: {  	s0 =	sadd.s32 @!p0 $0x100000, s1;
	[bflag:$0x2] =	sbarrier.arrive $0xFFFF  }
0x7e: {  	[sflag:s0] =	ssyncadd.tile.s32 @!p0 $0x1;
	_ =	shalt  }
.Lfunc_end2:
_tile_overlayer_lowered:
.L_overlay_start_2:
0x7f: {  	(tag) =	ssettag $0x2  }
0x80: {  	s0 =	rddreg [dreg:$0x0];
	s2 =	stileid.u32  }
0x81: {  	s1 =	rddreg [dreg:$0x1];
	p0 =	sne.s32 s2, $0x0  }
0x82: {  	s3 =	rddreg [dreg:$0x2];
	[bflag:$0x3] =	sbarrier.arrive $0xFFFF;
	s2 =	simm.s32 @!p0 $0x1C03  }
0x83: {  	[timem:s3], [sflag:s2] =	dma.local @!p0 [hbm:s0], s1  }
0x84: {  	s0 =	simm.s32 @!p0 $0x3  }
0x85: {  	_ =	swait.ge @!p0 [sflag:s0], s1  }
0x86: {  	s1 =	ssub.s32 @!p0 $0x0, s1;
	[sflag:s0] =	ssyncset.done @!p0 $0x0  }
0x87: {  	[sflag:s0] =	ssyncadd.s32 @!p0 s1  }
0x88: {  	[bflag:$0x3] =	sbarrier.arrive $0xFFFF  }
0x89: {  	_ =	shalt  }

// kernel: kernel.14.cloned.1.call-start
scs
__scs_entry_jumppad:
0x0: {  	(pc) =	sbr.rel $0x88, $3  }
0x1: {  	(tag) =	ssettag $0x0;
	lr =	simm.s32 $0x1  }
0x2: {  	[smem:$0x3F9B] =	sst lr;
	_ =	strace $0xD0000000  }
0x3: {  	_ = 	snop  }
0x4: {  	_ = 	snop  }
0x5: {  	_ = 	snop  }
0x6: {  	_ = 	snop  }
0x7: {  	_ = 	snop  }
__scs_overlays_trampoline_lowered:
0x8: {  	[smem:$0x3FAA] =	sst s0  }
0x9: {  	[smem:$0x3FAB] =	sst s1  }
0xa: {  	[smem:$0x3FAC] =	sst s2  }
0xb: {  	[smem:$0x3FAD] =	sst s3  }
0xc: {  	[smem:$0x3FAE] =	sst s4  }
0xd: {  	[smem:$0x3FAF] =	sst s5  }
0xe: {  	[smem:$0x3FB0] =	sst s6  }
0xf: {  	[smem:$0x3FB1] =	sst s7  }
0x10: {  	[smem:$0x3FB2] =	sst s8  }
0x11: {  	[smem:$0x3FB3] =	sst s9;
	s0 =	simm.s32 @!p0 $0x0  }
0x12: {  	s1 =	sld [smem:$0x3F99];
	s0 =	simm.s32 @p0 $0x1  }
0x13: {  	[smem:$0x3FB4] =	sst s0;
	s0 =	simm.s32 @!p1 $0x0  }
0x14: {  	s2 =	sld [smem:$0x3F98];
	s0 =	simm.s32 @p1 $0x1  }
0x15: {  	[smem:$0x3FB5] =	sst s0;
	s0 =	simm.s32 @!p2 $0x0  }
0x16: {  	s3 =	sld [smem:$0x3FDB];
	s0 =	simm.s32 @p2 $0x1  }
0x17: {  	s4 =	simm.s32 $0x1BF5;
	[smem:$0x3FB7] =	sst s0  }
0x18: {  	s0 =	sld [smem:$0x3F9A];
	_ =	swait.ge [sflag:s4], $0x0  }
0x19: {  	s7 =	sld [smem:$0x3F9B]  }
0x1a: {  	s8 =	sadd.s32 $0xFFFFE003, lr  }
0x1b: {  	s9 =	sadd.s32 $0xFFFFFEF7, lr;
	s5 =	simm.s32 $0xFFFFFFFF;
	p2 =	slt.u32 s8, $0xFFFFF086  }
0x1c: {  	p1 =	slt.u32 s9, $0xF7A;
	s5 =	simm.s32 @!p2 $0x0  }
0x1d: {  	s5 =	simm.s32 @p1 $0x1;
	p0 =	seq.s32 s7, s2  }
0x1e: {  	s7 =	smul.u32 @!p0 $0xF7A, s2;
	p2 =	seq.s32 @!p0 s5, $0x0  }
0x1f: {  	s9 =	smul.u32 $0xF7A, s1;
	s8 =	simm.s32 @!p0 $0x1BF5;
	p2 =	por !p2, p0  }
0x20: {  	[sflag:s8] =	ssyncset.s32 @!p0 $0xFFFFF086;
	s6 =	sadd.s32 @!p0 s3, s7;
	s7 =	simm.s32 @!p0 $0x108  }
0x21: {  	s3 =	sadd.s32 s3, s9;
	s6 =	sadd.s32 @!p0 $0x88, s6;
	s7 =	simm.s32 @p2 $0x1082  }
0x22: {  	[simem:s7], [sflag:s8] =	dma.local @!p0 [hbm:s6], $0xF7A  }
0x23: {  	s9 =	sor.u32 $0xD0000000, s2;
	s6 =	simm.s32 $0x108;
	_ =	swait.ge @!p0 [sflag:s8], $0x0  }
0x24: {  	s3 =	sadd.s32 $0x88, s3;
	s6 =	simm.s32 @!p1 $0x1082;
	[sflag:s4] =	ssyncset.s32 $0xFFFFF086  }
0x25: {  	[simem:s6], [sflag:s4] =	dma.local [hbm:s3], $0xF7A  }
0x26: {  	[smem:$0x3F9B] =	sst s1;
	(tag) =	ssettag s2;
	_ =	strace s9  }
0x27: {  	s1 =	sld [smem:$0x3FAB]  }
0x28: {  	s2 =	sld [smem:$0x3FAC]  }
0x29: {  	s4 =	sld [smem:$0x3FAE]  }
0x2a: {  	p0 =	seq.s32 s5, $0x0;
	s5 =	sld [smem:$0x3FAF]  }
0x2b: {  	s6 =	sld [smem:$0x3FB0]  }
0x2c: {  	s7 =	sld [smem:$0x3FB1]  }
0x2d: {  	s3 =	simm.s32 $0x108;
	s8 =	sld [smem:$0x3FB2]  }
0x2e: {  	s3 =	simm.s32 @!p0 $0x1082;
	s9 =	sld [smem:$0x3FB3]  }
0x2f: {  	lr =	sadd.s32 s0, s3;
	s0 =	sld [smem:$0x3FAA]  }
0x30: {  	s3 =	sld [smem:$0x3FAD]  }
0x31: {  	[smem:$0x3FB6] =	sst s10  }
0x32: {  	s10 =	sld [smem:$0x3FB4];
	_ =	sdelay $0x3  }
0x33: {  	p0 =	seq.s32 s10, $0x1;
	s10 =	sld [smem:$0x3FB6];
	_ =	sdelay $0x3  }
0x34: {  	[smem:$0x3FB6] =	sst s10  }
0x35: {  	s10 =	sld [smem:$0x3FB5];
	_ =	sdelay $0x3  }
0x36: {  	p1 =	seq.s32 s10, $0x1;
	s10 =	sld [smem:$0x3FB6];
	_ =	sdelay $0x3  }
0x37: {  	[smem:$0x3FB6] =	sst s10  }
0x38: {  	s10 =	sld [smem:$0x3FB7]  }
0x39: {  	_ = 	snop;
	(pc) =	sbr.ind lr, $3  }
0x3a: {  	_ = 	snop  }
0x3b: {  	_ = 	snop  }
0x3c: {  	p2 =	seq.s32 s10, $0x1;
	s10 =	sld [smem:$0x3FB6]  }
0x3d: {  	_ =	shalt  }
0x3e: {  	_ =	shalt  }
0x3f: {  	_ =	shalt  }
0x40: {  	_ =	shalt  }
0x41: {  	_ =	shalt  }
0x42: {  	_ =	shalt  }
0x43: {  	_ =	shalt  }
0x44: {  	_ =	shalt  }
0x45: {  	_ =	shalt  }
0x46: {  	_ =	shalt  }
0x47: {  	_ =	shalt  }
0x48: {  	_ =	shalt  }
0x49: {  	_ =	shalt  }
0x4a: {  	_ =	shalt  }
0x4b: {  	_ =	shalt  }
0x4c: {  	_ =	shalt  }
0x4d: {  	_ =	shalt  }
0x4e: {  	_ =	shalt  }
0x4f: {  	_ =	shalt  }
0x50: {  	_ =	shalt  }
0x51: {  	_ =	shalt  }
0x52: {  	_ =	shalt  }
0x53: {  	_ =	shalt  }
0x54: {  	_ =	shalt  }
0x55: {  	_ =	shalt  }
0x56: {  	_ =	shalt  }
0x57: {  	_ =	shalt  }
0x58: {  	_ =	shalt  }
0x59: {  	_ =	shalt  }
0x5a: {  	_ =	shalt  }
0x5b: {  	_ =	shalt  }
0x5c: {  	_ =	shalt  }
0x5d: {  	_ =	shalt  }
0x5e: {  	_ =	shalt  }
0x5f: {  	_ =	shalt  }
0x60: {  	_ =	shalt  }
0x61: {  	_ =	shalt  }
0x62: {  	_ =	shalt  }
0x63: {  	_ =	shalt  }
0x64: {  	_ =	shalt  }
0x65: {  	_ =	shalt  }
0x66: {  	_ =	shalt  }
0x67: {  	_ =	shalt  }
0x68: {  	_ =	shalt  }
0x69: {  	_ =	shalt  }
0x6a: {  	_ =	shalt  }
0x6b: {  	_ =	shalt  }
0x6c: {  	_ =	shalt  }
0x6d: {  	_ =	shalt  }
0x6e: {  	_ =	shalt  }
0x6f: {  	_ =	shalt  }
0x70: {  	_ =	shalt  }
0x71: {  	_ =	shalt  }
0x72: {  	_ =	shalt  }
0x73: {  	_ =	shalt  }
0x74: {  	_ =	shalt  }
0x75: {  	_ =	shalt  }
0x76: {  	_ =	shalt  }
0x77: {  	_ =	shalt  }
0x78: {  	_ =	shalt  }
0x79: {  	_ =	shalt  }
0x7a: {  	_ =	shalt  }
0x7b: {  	_ =	shalt  }
0x7c: {  	_ =	shalt  }
0x7d: {  	_ =	shalt  }
0x7e: {  	_ =	shalt  }
0x7f: {  	_ =	shalt  }
0x80: {  	_ =	shalt  }
0x81: {  	_ =	shalt  }
0x82: {  	_ =	shalt  }
0x83: {  	_ =	shalt  }
0x84: {  	_ =	shalt  }
0x85: {  	_ =	shalt  }
0x86: {  	_ =	shalt  }
0x87: {  	_ =	shalt  }
.Lfunc_end0:
.L_simem_size_0:
called_computation.2_lowered:
.L_overlay_start_0:
0x88: {  	s2 =	sld [smem:$0x3FD9]  }
0x89: {  	s3 =	sld [smem:$0x3FFE];
	_ =	sdelay $0x1  }
0x8a: {  	s1 =	srdreg.scid  }
0x8b: {  	s0 =	sand.u32 $0x1, s1  }
0x8c: {  	s16 =	sshll.u32 s0, $0xA;
	s2 =	sadd.s32 s3, s2  }
0x8d: {  	s2 =	sadd.s32 s2, s16  }
0x8e: {  	[smem:$0x3FC2] =	sst s2  }
0x8f: {  	_ = 	snop  }
0x90: {  	(tm) =	ssettm $0x1  }
0x91: {  	s17 =	sld [smem:$0x3FFB];
	_ =	sdelay $0x3  }
0x92: {  	_ =	strace s17  }
0x93: {  	s2 =	sld [smem:$0x3FFC];
	_ =	sdelay $0x3  }
0x94: {  	_ =	strace s2  }
0x95: {  	s2 =	sld [smem:$0x3FFD];
	_ =	sdelay $0x3  }
0x96: {  	_ =	strace s2  }
0x97: {  	_ =	strace $0x8FFFFFFF  }
0x98: {  	s18 =	sld [smem:$0x3FDB];
	_ =	sdelay $0x1  }
0x99: {  	s19 =	simm.s32 $_scs_section_size  }
0x9a: {  	s4 =	simm.s32 $_size__tile_overlayer_lowered;
	s5 =	simm.s32 $_tile_overlayer_lowered  }
0x9b: {  	s22 =	simm.s32 $0x1BFF;
	s21 =	sshll.u32 s5, $0x1;
	s2 =	sadd.s32 s19, s18  }
0x9c: {  	s6 =	simm.s32 $0x0;
	s20 =	sshll.u32 s4, $0x1;
	s4 =	sadd.s32 s21, s2  }
0x9d: {  	[timem:s6], [sflag:s22] =	dma.local [hbm:s4], s20  }
0x9e: {  	_ =	swait.ge [sflag:s22], s20  }
0x9f: {  	s3 =	ssub.s32 $0x0, s20;
	[sflag:s22] =	ssyncset.done $0x0  }
0xa0: {  	[sflag:s22] =	ssyncadd.s32 s3;
	_ =	sdelay $0x1  }
0xa1: {  	s23 =	simm.s32 $0x1B8B  }
0xa2: {  	_ =	swait.ge [sflag:s23], $0x1  }
0xa3: {  	[sflag:s23] =	ssyncset.done $0x0  }
0xa4: {  	s25 =	simm.s32 $0x1B8E;
	s24 =	sld [smem:$0x3FFE];
	[sflag:s23] =	ssyncadd.s32 $0xFFFFFFFF  }
0xa5: {  	s26 =	simm.s32 $execute0_lowered;
	[smem:$0x3FD2] =	sst s25  }
0xa6: {  	s4 =	sshll.u32 s26, $0x1;
	_ =	strace $0x8000004C;
	[dreg:$0x1] =	wrdreg $0xFFFFFFFF  }
0xa7: {  	s28 =	simm.s32 $_size_execute0_lowered;
	s2 =	sadd.s32 s2, s4;
	[dreg:$0x0] =	wrdreg $0x0  }
0xa8: {  	s4 =	sshll.u32 s28, $0x1;
	[dreg:$0x2] =	wrdreg s2  }
0xa9: {  	[dreg:$0x3] =	wrdreg s4  }
0xaa: {  	[dreg:$0x4] =	wrdreg $0xC0  }
0xab: {  	_ =	task [dreg:s6], $0x5FFFF  }
0xac: {  	[dreg:$0x1] =	wrdreg $0xFFFFFFFF  }
0xad: {  	[dreg:$0x0] =	wrdreg $0x60  }
0xae: {  	[dreg:$0x2] =	wrdreg s24  }
0xaf: {  	[dreg:$0x3] =	wrdreg $0x7B700  }
0xb0: {  	[dreg:$0x4] =	wrdreg $0x9  }
0xb1: {  	_ =	task.clear_ibuf [dreg:s6], $0x5FFFF;
	_ =	strace $0x9000004C  }
0xb2: {  	s29 =	simm.s32 $0x9;
	_ =	strace $0x8000004E  }
0xb3: {  	_ =	swait.ge [sflag:s29], $0x1  }
0xb4: {  	[sflag:s29] =	ssyncadd.s32 $0xFFFFFFFF  }
0xb5: {  	_ =	strace $0x9000004E  }
0xb6: {  	_ =	sfence  }
0xb7: {  	s30 =	sld [smem:$0x0];
	_ =	sdelay $0x2  }
0xb8: {  	s31 =	sshll.u32 s1, $0xD;
	s1 =	sshrl.u32 s1, $0x2  }
0xb9: {  	s3 =	sand.u32 $0x4000, s31;
	s1 =	sadd.s32 s1, s30  }
0xba: {  	s0 =	sor.u32 s3, s0;
	s1 =	sshll.u32 s1, $0x11  }
0xbb: {  	s0 =	sor.u32 s1, s0  }
0xbc: {  	s0 =	sadd.s32 $0x8F2B, s0  }
0xbd: {  	[sflag:s0] =	ssyncadd.remote.s32 $0x1  }
0xbe: {  	_ =	sfence.sel $0xFFFF  }
0xbf: {  	[dreg:$0x0] =	wrdreg $0xFFFFFFFF;
	(pc) =	sbr.abs _section_cstart, $3  }
0xc0: {  	[dreg:$0x1] =	wrdreg $0xFFFFFFFF  }
0xc1: {  	_ =	task.clear_ibuf [dreg:s6], $0x2FFFF;
	_ =	strace $0x9FFFFFFF  }
0xc2: {  	(tm) =	ssettm $0x7FFFFFFF  }
0xc3: {  	_ =	shalt  }
tec
execute0_lowered:
.L_overlay_start_1:
0x0: {  	(tag) =	ssettag $0x1  }
0x1: {  	s6 =	rddreg [dreg:$0x0]  }
0x2: {  	s0 =	srdreg.scid;
	s2 =	rddreg [dreg:$0x1]  }
0x3: {  	s3 =	simm.s32 $0x0;
	s12 =	simm.s32 $0x28A0;
	s13 =	simm.s32 $0x64  }
0x4: {  	s14 =	simm.s32 $0x5140;
	s15 =	simm.s32 $0x6400;
	s16 =	simm.s32 $0x1  }
0x5: {  	s17 =	simm.s32 $0x2;
	s18 =	simm.s32 $0x2838;
	s19 =	simm.s32 $0x5070  }
0x6: {  	s20 =	simm.s32 $0x50D8;
	s5 =	sand.u32 $0x1, s0;
	s0 =	stileid.u32  }
0x7: {  	[smem:$0x7FF] =	sst s3;
	s4 =	sadd.s32 $0x16800, s6;
	s8 =	smul.u32 $0x75300, s5  }
0x8: {  	s1 =	sshll.u32 s5, $0x4;
	s9 =	smul.u32 $0x7530, s0;
	s5 =	ssub.s32 $0x2, s5  }
0x9: {  	s11 =	smul.u32 $0x1D4C0, s0;
	s21 =	sshll.u32 s0, $0x6;
	s1 =	sor.u32 s0, s1  }
0xa: {  	s10 =	sshrl.u32 s5, $0x1;
	s21 =	sor.u32 $0x1C03, s21;
	s7 =	smul.u32 $0x28A0, s1  }
0xb: {  	s1 =	rddreg [dreg:$0x2];
	_ =	strace $0x8000004D;
	s8 =	sadd.s32 s9, s8  }
0xc: {  	s10 =	ssub.s32 s5, s10;
	s22 =	sadd.s32 s9, s2;
	s31 =	sshrl.u32 s11, $0x2  }
0xd: {  	s11 =	simm.s32 $0x3;
	s8 =	sshrl.u32 s8, $0x3;
	s7 =	sshrl.u32 s7, $0x3  }
0xe: {  	s9 =	sadd.s32 s31, s2;
	s22 =	sshrl.u32 s22, $0x3;
	s7 =	sadd.s32 s7, s6  }
0xf: {  	s8 =	sadd.s32 s8, s6;
	s5 =	sadd.s32 $0x2200, s7;
	s6 =	sadd.s32 $0xC480, s7  }
0x10: {  	v0 =	vimm.f32 $0.0e+00;
	s7 =	sadd.s32 $0x25400, s8;
	s8 =	smax.u32 s10, $0x1;
	s10 =	simm.s32 $0x76C0  }
.LBB2_1:
0x11: {  	[tilespmem:$0x76C0] =	vst v0  }
0x12: {  	[tilespmem:$0x76D0] =	vst v0  }
0x13: {  	[tilespmem:$0x76E0] =	vst v0  }
0x14: {  	[tilespmem:$0x76F0] =	vst v0  }
0x15: {  	[tilespmem:$0x7700] =	vst v0  }
0x16: {  	[tilespmem:$0x7710] =	vst v0  }
0x17: {  	[tilespmem:$0x7720] =	vst v0  }
0x18: {  	[tilespmem:$0x7730] =	vst v0  }
0x19: {  	[tilespmem:$0x7740] =	vst v0  }
0x1a: {  	[tilespmem:$0x7750] =	vst v0  }
0x1b: {  	[tilespmem:$0x7760] =	vst v0  }
0x1c: {  	[tilespmem:$0x7770] =	vst v0  }
0x1d: {  	[tilespmem:$0x7780] =	vst v0  }
0x1e: {  	[tilespmem:$0x7790] =	vst v0  }
0x1f: {  	[tilespmem:$0x77A0] =	vst v0  }
0x20: {  	[tilespmem:$0x77B0] =	vst v0  }
0x21: {  	[tilespmem:$0x77C0] =	vst v0  }
0x22: {  	[tilespmem:$0x77D0] =	vst v0  }
0x23: {  	[tilespmem:$0x77E0] =	vst v0  }
0x24: {  	[tilespmem:$0x77F0] =	vst v0  }
0x25: {  	[tilespmem:$0x7800] =	vst v0  }
0x26: {  	[tilespmem:$0x7810] =	vst v0  }
0x27: {  	[tilespmem:$0x7820] =	vst v0  }
0x28: {  	[tilespmem:$0x7830] =	vst v0  }
0x29: {  	[tilespmem:$0x7840] =	vst v0  }
0x2a: {  	[tilespmem:$0x7850] =	vst v0  }
0x2b: {  	[tilespmem:$0x7860] =	vst v0  }
0x2c: {  	[tilespmem:$0x7870] =	vst v0  }
0x2d: {  	[tilespmem:$0x7880] =	vst v0  }
0x2e: {  	[tilespmem:$0x7890] =	vst v0  }
0x2f: {  	[tilespmem:$0x78A0] =	vst v0  }
0x30: {  	[tilespmem:$0x78B0] =	vst v0  }
0x31: {  	[tilespmem:$0x78C0] =	vst v0  }
0x32: {  	[tilespmem:$0x78D0] =	vst v0  }
0x33: {  	[tilespmem:$0x78E0] =	vst v0  }
0x34: {  	[tilespmem:$0x78F0] =	vst v0  }
0x35: {  	[tilespmem:$0x7900] =	vst v0  }
0x36: {  	[tilespmem:$0x7910] =	vst v0  }
0x37: {  	[tilespmem:$0x7920] =	vst v0  }
0x38: {  	[tilespmem:$0x7930] =	vst v0  }
0x39: {  	[tilespmem:$0x7940] =	vst v0  }
0x3a: {  	[tilespmem:$0x7950] =	vst v0  }
0x3b: {  	[tilespmem:$0x7960] =	vst v0  }
0x3c: {  	[tilespmem:$0x7970] =	vst v0  }
0x3d: {  	[tilespmem:$0x7980] =	vst v0  }
0x3e: {  	[tilespmem:$0x7990] =	vst v0  }
0x3f: {  	[tilespmem:$0x79A0] =	vst v0  }
0x40: {  	[tilespmem:$0x79B0] =	vst v0  }
0x41: {  	[tilespmem:$0x79C0] =	vst v0  }
0x42: {  	[tilespmem:$0x79D0] =	vst v0  }
0x43: {  	[tilespmem:$0x79E0] =	vst v0  }
0x44: {  	[tilespmem:$0x79F0] =	vst v0  }
0x45: {  	[tilespmem:$0x7A00] =	vst v0  }
0x46: {  	[tilespmem:$0x7A10] =	vst v0  }
0x47: {  	[tilespmem:$0x7A20] =	vst v0  }
0x48: {  	[tilespmem:$0x7A30] =	vst v0  }
0x49: {  	[tilespmem:$0x7A40] =	vst v0  }
0x4a: {  	[tilespmem:$0x7A50] =	vst v0  }
0x4b: {  	[tilespmem:$0x7A60] =	vst v0  }
0x4c: {  	[tilespmem:$0x7A70] =	vst v0  }
0x4d: {  	[tilespmem:$0x7A80] =	vst v0  }
0x4e: {  	[tilespmem:$0x7A90] =	vst v0  }
0x4f: {  	[tilespmem:$0x7AA0] =	vst v0  }
0x50: {  	[tilespmem:$0x7AB0] =	vst v0  }
0x51: {  	[tilespmem:$0x7AC0] =	vst v0  }
0x52: {  	[tilespmem:$0x7AD0] =	vst v0  }
0x53: {  	[tilespmem:$0x7AE0] =	vst v0  }
0x54: {  	[tilespmem:$0x7AF0] =	vst v0  }
0x55: {  	[tilespmem:$0x7B00] =	vst v0  }
0x56: {  	[tilespmem:$0x7B10] =	vst v0  }
0x57: {  	[tilespmem:$0x7B20] =	vst v0  }
0x58: {  	[tilespmem:$0x7B30] =	vst v0  }
0x59: {  	[tilespmem:$0x7B40] =	vst v0  }
0x5a: {  	[tilespmem:$0x7B50] =	vst v0  }
0x5b: {  	[tilespmem:$0x7B60] =	vst v0;
	s23 =	sadd.s32 $0x0, s9  }
0x5c: {  	[spmem:s23] =	stream.linear.scatter [tilespmem:s10], [sflag:$0x3], $0x4B0, $0x38;
	[tilespmem:$0xF0A0] =	vst v63  }
0x5d: {  	s23 =	simm.s32 $0x12C0;
	_ =	swait.ge [sflag:s11], $0x4B0  }
.LBB2_2:
0x5e: {  	s24 =	sshra.s32 s23, $0x2;
	[sflag:s11] =	ssyncset.done $0x0;
	p0 =	sne.s32 s23, $0x1C200  }
.Ltmp0:
0x5f: {  	s24 =	sadd.s32 s24, s9;
	[sflag:s11] =	ssyncadd.s32 $0xFFFFFB50;
	(pc) =	sbr.rel @p0 .LBB2_2-.Ltmp0, $3  }
0x60: {  	[spmem:s24] =	stream.linear.scatter [tilespmem:s10], [sflag:$0x3], $0x4B0, $0x38;
	[tilespmem:$0xF0A0] =	vst v63  }
0x61: {  	s23 =	sadd.s32 $0x12C0, s23;
	_ =	sdelay $0x1  }
0x62: {  	_ =	swait.ge [sflag:s11], $0x4B0  }
0x63: {  	[sflag:s11] =	ssyncset.done $0x0  }
0x64: {  	[sflag:s11] =	ssyncadd.s32 $0xFFFFFB50  }
0x65: {  	s23 =	simm.s32 $0x0;
	[bflag:$0x0] =	sbarrier.arrive $0xFFFF  }
0x66: {  	[tilespmem:s23], [sflag:$0x3] =	stream.linear.gather [hbm4b:s5+s23], $0x28A0, $0x38;
	[tilespmem:$0xF0A0] =	vst v63  }
0x67: {  	_ =	swait.ge [sflag:s11], $0x28A0  }
0x68: {  	[sflag:s11] =	ssyncset.done $0x0  }
0x69: {  	[sflag:s11] =	ssyncadd.s32 $0xFFFFD760  }
0x6a: {  	[tilespmem:s12], [sflag:$0x3] =	stream.linear.gather [hbm4b:s6+s23], $0x28A0, $0x38;
	[tilespmem:$0xF0A0] =	vst v63  }
0x6b: {  	_ =	swait.ge [sflag:s11], $0x28A0  }
0x6c: {  	[sflag:s11] =	ssyncset.done $0x0  }
0x6d: {  	[sflag:s11] =	ssyncadd.s32 $0xFFFFD760  }
0x6e: {  	[tilespmem:s14], [sflag:$0x1] =	stream.indirect.gather [hbm4b:s4+s13], $0x30, s23, s13, $0xb8;
	[tilespmem:$0xF0A0] =	vst v63  }
0x6f: {  	s28 =	simm.s32 $0x68  }
0x70: {  	[tilespmem:s15], [sflag:$0x2] =	stream.indirect.gather [hbm4b:s4+s13], $0x30, s28, s13, $0xb8;
	[tilespmem:$0xF0A0] =	vst v63  }
0x71: {  	_ =	swait.ge [sflag:s16], $0x12C0  }
0x72: {  	[sflag:s16] =	ssyncset.done $0x0  }
0x73: {  	s29 =	simm.s32 $0x28A0;
	[sflag:s16] =	ssyncadd.s32 $0xFFFFED40  }
0x74: {  	[spmem:s2] =	stream.indirect.scatter.add.f32 [tilespmem:s14], [sflag:$0x3], $0x30, s29, s13, $0xb8;
	[tilespmem:$0xF0A0] =	vst v63  }
0x75: {  	_ =	swait.ge [sflag:s11], $0x12C0  }
0x76: {  	[sflag:s11] =	ssyncset.done $0x0  }
0x77: {  	s30 =	simm.s32 $0xD0;
	[sflag:s11] =	ssyncadd.s32 $0xFFFFED40  }
0x78: {  	[tilespmem:s14], [sflag:$0x1] =	stream.indirect.gather [hbm4b:s4+s13], $0x30, s30, s13, $0xb8;
	[tilespmem:$0xF0A0] =	vst v63  }
0x79: {  	_ =	swait.ge [sflag:s17], $0x12C0  }
0x7a: {  	[sflag:s17] =	ssyncset.done $0x0  }
0x7b: {  	s31 =	simm.s32 $0x2908;
	[sflag:s17] =	ssyncadd.s32 $0xFFFFED40  }
0x7c: {  	[spmem:s2] =	stream.indirect.scatter.add.f32 [tilespmem:s15], [sflag:$0x3], $0x30, s31, s13, $0xb8;
	[tilespmem:$0xF0A0] =	vst v63  }
0x7d: {  	_ =	swait.ge [sflag:s11], $0x12C0  }
0x7e: {  	s24 =	simm.s32 $0x680;
	s23 =	simm.s32 $0xD0;
	[sflag:s11] =	ssyncset.done $0x0  }
.LBB2_4:
0x7f: {  	s25 =	sadd.s32 $0x68, s23  }
0x80: {  	[sflag:s11] =	ssyncadd.s32 $0xFFFFED40;
	s26 =	smov.u32 s24;
	s28 =	sadd.s32 $0x340, s24  }
0x81: {  	[tilespmem:s15], [sflag:$0x2] =	stream.indirect.gather [hbm4b:s4+s13], $0x30, s25, s13, $0xb8;
	[tilespmem:$0xF0A0] =	vst v63  }
0x82: {  	p0 =	sne.s32 s24, $0x9C00;
	_ =	swait.ge [sflag:s16], $0x12C0  }
0x83: {  	[sflag:s16] =	ssyncset.done $0x0  }
0x84: {  	s24 =	sadd.s32 $0x28A0, s23;
	[sflag:s16] =	ssyncadd.s32 $0xFFFFED40  }
0x85: {  	[spmem:s2] =	stream.indirect.scatter.add.f32 [tilespmem:s14], [sflag:$0x3], $0x30, s24, s13, $0xb8;
	[tilespmem:$0xF0A0] =	vst v63  }
0x86: {  	_ =	swait.ge [sflag:s11], $0x12C0  }
0x87: {  	[sflag:s11] =	ssyncset.done $0x0  }
0x88: {  	s24 =	sadd.s32 $0xD0, s23;
	[sflag:s11] =	ssyncadd.s32 $0xFFFFED40  }
0x89: {  	[tilespmem:s14], [sflag:$0x1] =	stream.indirect.gather [hbm4b:s4+s13], $0x30, s24, s13, $0xb8;
	[tilespmem:$0xF0A0] =	vst v63  }
0x8a: {  	_ =	swait.ge [sflag:s17], $0x12C0  }
.Ltmp1:
0x8b: {  	[sflag:s17] =	ssyncset.done $0x0;
	(pc) =	sbr.rel @p0 .LBB2_4-.Ltmp1, $4  }
0x8c: {  	s23 =	sadd.s32 $0x2908, s23;
	[sflag:s17] =	ssyncadd.s32 $0xFFFFED40  }
0x8d: {  	[spmem:s2] =	stream.indirect.scatter.add.f32 [tilespmem:s15], [sflag:$0x3], $0x30, s23, s13, $0xb8;
	[tilespmem:$0xF0A0] =	vst v63  }
0x8e: {  	_ =	swait.ge [sflag:s11], $0x12C0  }
0x8f: {  	s24 =	smov.u32 s28;
	s23 =	sshra.s32 s26, $0x2;
	[sflag:s11] =	ssyncset.done $0x0  }
0x90: {  	s24 =	sadd.s32 $0x68, s23;
	[sflag:s11] =	ssyncadd.s32 $0xFFFFED40  }
0x91: {  	[tilespmem:s15], [sflag:$0x2] =	stream.indirect.gather [hbm4b:s4+s13], $0x30, s24, s13, $0xb8;
	[tilespmem:$0xF0A0] =	vst v63  }
0x92: {  	_ =	swait.ge [sflag:s16], $0x12C0  }
0x93: {  	[sflag:s16] =	ssyncset.done $0x0  }
0x94: {  	s29 =	sadd.s32 $0x28A0, s23;
	[sflag:s16] =	ssyncadd.s32 $0xFFFFED40  }
0x95: {  	[spmem:s2] =	stream.indirect.scatter.add.f32 [tilespmem:s14], [sflag:$0x3], $0x30, s29, s13, $0xb8;
	[tilespmem:$0xF0A0] =	vst v63  }
0x96: {  	_ =	swait.ge [sflag:s11], $0x12C0  }
0x97: {  	[sflag:s11] =	ssyncset.done $0x0  }
0x98: {  	s30 =	sadd.s32 $0xD0, s23;
	[sflag:s11] =	ssyncadd.s32 $0xFFFFED40  }
0x99: {  	[tilespmem:s14], [sflag:$0x1] =	stream.indirect.gather [hbm4b:s4+s13], $0x30, s30, s13, $0xb8;
	[tilespmem:$0xF0A0] =	vst v63  }
0x9a: {  	_ =	swait.ge [sflag:s17], $0x12C0  }
0x9b: {  	[sflag:s17] =	ssyncset.done $0x0  }
0x9c: {  	s31 =	sadd.s32 $0x2908, s23;
	[sflag:s17] =	ssyncadd.s32 $0xFFFFED40  }
0x9d: {  	[spmem:s2] =	stream.indirect.scatter.add.f32 [tilespmem:s15], [sflag:$0x3], $0x30, s31, s13, $0xb8;
	[tilespmem:$0xF0A0] =	vst v63  }
0x9e: {  	_ =	swait.ge [sflag:s11], $0x12C0  }
0x9f: {  	[sflag:s11] =	ssyncset.done $0x0  }
0xa0: {  	[sflag:s11] =	ssyncadd.s32 $0xFFFFED40  }
0xa1: {  	[tilespmem:s15], [sflag:$0x2] =	stream.indirect.gather [hbm4b:s4+s13], $0x30, s18, s13, $0xb8;
	[tilespmem:$0xF0A0] =	vst v63  }
0xa2: {  	_ =	swait.ge [sflag:s16], $0x12C0  }
0xa3: {  	[sflag:s16] =	ssyncset.done $0x0  }
0xa4: {  	[sflag:s16] =	ssyncadd.s32 $0xFFFFED40  }
0xa5: {  	[spmem:s2] =	stream.indirect.scatter.add.f32 [tilespmem:s14], [sflag:$0x3], $0x30, s19, s13, $0xb8;
	[tilespmem:$0xF0A0] =	vst v63  }
0xa6: {  	_ =	swait.ge [sflag:s11], $0x12C0  }
0xa7: {  	[sflag:s11] =	ssyncset.done $0x0  }
0xa8: {  	[sflag:s11] =	ssyncadd.s32 $0xFFFFED40  }
0xa9: {  	_ =	swait.ge [sflag:s17], $0x12C0  }
0xaa: {  	[sflag:s17] =	ssyncset.done $0x0  }
0xab: {  	[sflag:s17] =	ssyncadd.s32 $0xFFFFED40  }
0xac: {  	[spmem:s2] =	stream.indirect.scatter.add.f32 [tilespmem:s15], [sflag:$0x3], $0x30, s20, s13, $0xb8;
	[tilespmem:$0xF0A0] =	vst v63  }
0xad: {  	_ =	swait.ge [sflag:s11], $0x12C0  }
0xae: {  	s3 =	sadd.s32 $0x1, s3;
	[sflag:s11] =	ssyncset.done $0x0  }
0xaf: {  	p0 =	sne.s32 s3, s8;
	[sflag:s11] =	ssyncadd.s32 $0xFFFFED40  }
.Ltmp2:
0xb0: {  	[bflag:$0x0] =	sbarrier.arrive $0xFFFF;
	(pc) =	sbr.rel @p0 .LBB2_1-.Ltmp2, $4  }
0xb1: {  	[hbm:s7], [sflag:s21] =	dma.local [spmem:s22], $0xEA6  }
0xb2: {  	_ =	swait.ge [sflag:s11], $0xEA6  }
0xb3: {  	[sflag:s11] =	ssyncset.done $0x0  }
0xb4: {  	[sflag:s11] =	ssyncadd.s32 $0xFFFFF15A  }
0xb5: {  	_ =	sfence.sel $0x180000  }
0xb6: {  	[bflag:$0x0] =	sbarrier.arrive $0xFFFF  }
0xb7: {  	p0 =	sne.s32 s0, $0x0;
	_ =	strace $0x9000004D  }
0xb8: {  	s0 =	sadd.s32 @!p0 $0x100000, s1;
	[bflag:$0x2] =	sbarrier.arrive $0xFFFF  }
0xb9: {  	[sflag:s0] =	ssyncadd.tile.s32 @!p0 $0x1;
	_ =	shalt  }
.Lfunc_end2:
_tile_overlayer_lowered:
.L_overlay_start_2:
0xba: {  	(tag) =	ssettag $0x2  }
0xbb: {  	s0 =	rddreg [dreg:$0x0];
	s2 =	stileid.u32  }
0xbc: {  	s1 =	rddreg [dreg:$0x1];
	p0 =	sne.s32 s2, $0x0  }
0xbd: {  	s3 =	rddreg [dreg:$0x2];
	[bflag:$0x3] =	sbarrier.arrive $0xFFFF;
	s2 =	simm.s32 @!p0 $0x1C03  }
0xbe: {  	[timem:s3], [sflag:s2] =	dma.local @!p0 [hbm:s0], s1  }
0xbf: {  	s0 =	simm.s32 @!p0 $0x3  }
0xc0: {  	_ =	swait.ge @!p0 [sflag:s0], s1  }
0xc1: {  	s1 =	ssub.s32 @!p0 $0x0, s1;
	[sflag:s0] =	ssyncset.done @!p0 $0x0  }
0xc2: {  	[sflag:s0] =	ssyncadd.s32 @!p0 s1  }
0xc3: {  	[bflag:$0x3] =	sbarrier.arrive $0xFFFF  }
0xc4: {  	_ =	shalt  }

// kernel: kernel.8.cloned.1.call-start
scs
__scs_entry_jumppad:
0x0: {  	(pc) =	sbr.rel $0x88, $3  }
0x1: {  	(tag) =	ssettag $0x0;
	lr =	simm.s32 $0x1  }
0x2: {  	[smem:$0x3F9B] =	sst lr;
	_ =	strace $0xD0000000  }
0x3: {  	_ = 	snop  }
0x4: {  	_ = 	snop  }
0x5: {  	_ = 	snop  }
0x6: {  	_ = 	snop  }
0x7: {  	_ = 	snop  }
__scs_overlays_trampoline_lowered:
0x8: {  	[smem:$0x3FAA] =	sst s0  }
0x9: {  	[smem:$0x3FAB] =	sst s1  }
0xa: {  	[smem:$0x3FAC] =	sst s2  }
0xb: {  	[smem:$0x3FAD] =	sst s3  }
0xc: {  	[smem:$0x3FAE] =	sst s4  }
0xd: {  	[smem:$0x3FAF] =	sst s5  }
0xe: {  	[smem:$0x3FB0] =	sst s6  }
0xf: {  	[smem:$0x3FB1] =	sst s7  }
0x10: {  	[smem:$0x3FB2] =	sst s8  }
0x11: {  	[smem:$0x3FB3] =	sst s9;
	s0 =	simm.s32 @!p0 $0x0  }
0x12: {  	s1 =	sld [smem:$0x3F99];
	s0 =	simm.s32 @p0 $0x1  }
0x13: {  	[smem:$0x3FB4] =	sst s0;
	s0 =	simm.s32 @!p1 $0x0  }
0x14: {  	s2 =	sld [smem:$0x3F98];
	s0 =	simm.s32 @p1 $0x1  }
0x15: {  	[smem:$0x3FB5] =	sst s0;
	s0 =	simm.s32 @!p2 $0x0  }
0x16: {  	s3 =	sld [smem:$0x3FDB];
	s0 =	simm.s32 @p2 $0x1  }
0x17: {  	s4 =	simm.s32 $0x1BF5;
	[smem:$0x3FB7] =	sst s0  }
0x18: {  	s0 =	sld [smem:$0x3F9A];
	_ =	swait.ge [sflag:s4], $0x0  }
0x19: {  	s7 =	sld [smem:$0x3F9B]  }
0x1a: {  	s8 =	sadd.s32 $0xFFFFE003, lr  }
0x1b: {  	s9 =	sadd.s32 $0xFFFFFEF7, lr;
	s5 =	simm.s32 $0xFFFFFFFF;
	p2 =	slt.u32 s8, $0xFFFFF086  }
0x1c: {  	p1 =	slt.u32 s9, $0xF7A;
	s5 =	simm.s32 @!p2 $0x0  }
0x1d: {  	s5 =	simm.s32 @p1 $0x1;
	p0 =	seq.s32 s7, s2  }
0x1e: {  	s7 =	smul.u32 @!p0 $0xF7A, s2;
	p2 =	seq.s32 @!p0 s5, $0x0  }
0x1f: {  	s9 =	smul.u32 $0xF7A, s1;
	s8 =	simm.s32 @!p0 $0x1BF5;
	p2 =	por !p2, p0  }
0x20: {  	[sflag:s8] =	ssyncset.s32 @!p0 $0xFFFFF086;
	s6 =	sadd.s32 @!p0 s3, s7;
	s7 =	simm.s32 @!p0 $0x108  }
0x21: {  	s3 =	sadd.s32 s3, s9;
	s6 =	sadd.s32 @!p0 $0x88, s6;
	s7 =	simm.s32 @p2 $0x1082  }
0x22: {  	[simem:s7], [sflag:s8] =	dma.local @!p0 [hbm:s6], $0xF7A  }
0x23: {  	s9 =	sor.u32 $0xD0000000, s2;
	s6 =	simm.s32 $0x108;
	_ =	swait.ge @!p0 [sflag:s8], $0x0  }
0x24: {  	s3 =	sadd.s32 $0x88, s3;
	s6 =	simm.s32 @!p1 $0x1082;
	[sflag:s4] =	ssyncset.s32 $0xFFFFF086  }
0x25: {  	[simem:s6], [sflag:s4] =	dma.local [hbm:s3], $0xF7A  }
0x26: {  	[smem:$0x3F9B] =	sst s1;
	(tag) =	ssettag s2;
	_ =	strace s9  }
0x27: {  	s1 =	sld [smem:$0x3FAB]  }
0x28: {  	s2 =	sld [smem:$0x3FAC]  }
0x29: {  	s4 =	sld [smem:$0x3FAE]  }
0x2a: {  	p0 =	seq.s32 s5, $0x0;
	s5 =	sld [smem:$0x3FAF]  }
0x2b: {  	s6 =	sld [smem:$0x3FB0]  }
0x2c: {  	s7 =	sld [smem:$0x3FB1]  }
0x2d: {  	s3 =	simm.s32 $0x108;
	s8 =	sld [smem:$0x3FB2]  }
0x2e: {  	s3 =	simm.s32 @!p0 $0x1082;
	s9 =	sld [smem:$0x3FB3]  }
0x2f: {  	lr =	sadd.s32 s0, s3;
	s0 =	sld [smem:$0x3FAA]  }
0x30: {  	s3 =	sld [smem:$0x3FAD]  }
0x31: {  	[smem:$0x3FB6] =	sst s10  }
0x32: {  	s10 =	sld [smem:$0x3FB4];
	_ =	sdelay $0x3  }
0x33: {  	p0 =	seq.s32 s10, $0x1;
	s10 =	sld [smem:$0x3FB6];
	_ =	sdelay $0x3  }
0x34: {  	[smem:$0x3FB6] =	sst s10  }
0x35: {  	s10 =	sld [smem:$0x3FB5];
	_ =	sdelay $0x3  }
0x36: {  	p1 =	seq.s32 s10, $0x1;
	s10 =	sld [smem:$0x3FB6];
	_ =	sdelay $0x3  }
0x37: {  	[smem:$0x3FB6] =	sst s10  }
0x38: {  	s10 =	sld [smem:$0x3FB7]  }
0x39: {  	_ = 	snop;
	(pc) =	sbr.ind lr, $3  }
0x3a: {  	_ = 	snop  }
0x3b: {  	_ = 	snop  }
0x3c: {  	p2 =	seq.s32 s10, $0x1;
	s10 =	sld [smem:$0x3FB6]  }
0x3d: {  	_ =	shalt  }
0x3e: {  	_ =	shalt  }
0x3f: {  	_ =	shalt  }
0x40: {  	_ =	shalt  }
0x41: {  	_ =	shalt  }
0x42: {  	_ =	shalt  }
0x43: {  	_ =	shalt  }
0x44: {  	_ =	shalt  }
0x45: {  	_ =	shalt  }
0x46: {  	_ =	shalt  }
0x47: {  	_ =	shalt  }
0x48: {  	_ =	shalt  }
0x49: {  	_ =	shalt  }
0x4a: {  	_ =	shalt  }
0x4b: {  	_ =	shalt  }
0x4c: {  	_ =	shalt  }
0x4d: {  	_ =	shalt  }
0x4e: {  	_ =	shalt  }
0x4f: {  	_ =	shalt  }
0x50: {  	_ =	shalt  }
0x51: {  	_ =	shalt  }
0x52: {  	_ =	shalt  }
0x53: {  	_ =	shalt  }
0x54: {  	_ =	shalt  }
0x55: {  	_ =	shalt  }
0x56: {  	_ =	shalt  }
0x57: {  	_ =	shalt  }
0x58: {  	_ =	shalt  }
0x59: {  	_ =	shalt  }
0x5a: {  	_ =	shalt  }
0x5b: {  	_ =	shalt  }
0x5c: {  	_ =	shalt  }
0x5d: {  	_ =	shalt  }
0x5e: {  	_ =	shalt  }
0x5f: {  	_ =	shalt  }
0x60: {  	_ =	shalt  }
0x61: {  	_ =	shalt  }
0x62: {  	_ =	shalt  }
0x63: {  	_ =	shalt  }
0x64: {  	_ =	shalt  }
0x65: {  	_ =	shalt  }
0x66: {  	_ =	shalt  }
0x67: {  	_ =	shalt  }
0x68: {  	_ =	shalt  }
0x69: {  	_ =	shalt  }
0x6a: {  	_ =	shalt  }
0x6b: {  	_ =	shalt  }
0x6c: {  	_ =	shalt  }
0x6d: {  	_ =	shalt  }
0x6e: {  	_ =	shalt  }
0x6f: {  	_ =	shalt  }
0x70: {  	_ =	shalt  }
0x71: {  	_ =	shalt  }
0x72: {  	_ =	shalt  }
0x73: {  	_ =	shalt  }
0x74: {  	_ =	shalt  }
0x75: {  	_ =	shalt  }
0x76: {  	_ =	shalt  }
0x77: {  	_ =	shalt  }
0x78: {  	_ =	shalt  }
0x79: {  	_ =	shalt  }
0x7a: {  	_ =	shalt  }
0x7b: {  	_ =	shalt  }
0x7c: {  	_ =	shalt  }
0x7d: {  	_ =	shalt  }
0x7e: {  	_ =	shalt  }
0x7f: {  	_ =	shalt  }
0x80: {  	_ =	shalt  }
0x81: {  	_ =	shalt  }
0x82: {  	_ =	shalt  }
0x83: {  	_ =	shalt  }
0x84: {  	_ =	shalt  }
0x85: {  	_ =	shalt  }
0x86: {  	_ =	shalt  }
0x87: {  	_ =	shalt  }
.Lfunc_end0:
.L_simem_size_0:
called_computation_lowered:
.L_overlay_start_0:
0x88: {  	s2 =	sld [smem:$0x3FD9]  }
0x89: {  	s3 =	sld [smem:$0x3FFE];
	_ =	sdelay $0x1  }
0x8a: {  	s1 =	srdreg.scid  }
0x8b: {  	s0 =	sand.u32 $0x1, s1  }
0x8c: {  	s17 =	sshll.u32 s0, $0xA;
	s2 =	sadd.s32 s3, s2  }
0x8d: {  	s2 =	sadd.s32 s2, s17  }
0x8e: {  	[smem:$0x3FC2] =	sst s2  }
0x8f: {  	_ = 	snop  }
0x90: {  	s2 =	sld [smem:$0x3FD0];
	(tm) =	ssettm $0x1  }
0x91: {  	s18 =	sld [smem:$0x3FFB];
	_ =	sdelay $0x3  }
0x92: {  	_ =	strace s18  }
0x93: {  	s3 =	sld [smem:$0x3FFC];
	_ =	sdelay $0x3  }
0x94: {  	_ =	strace s3  }
0x95: {  	s3 =	sld [smem:$0x3FFD];
	_ =	sdelay $0x3  }
0x96: {  	_ =	strace s3  }
0x97: {  	_ =	strace $0x8FFFFFFF  }
0x98: {  	s19 =	sld [smem:$0x3FDB];
	_ =	sdelay $0x1  }
0x99: {  	s4 =	simm.s32 $_scs_section_size  }
0x9a: {  	s5 =	simm.s32 $_size__tile_overlayer_lowered;
	s6 =	simm.s32 $_tile_overlayer_lowered  }
0x9b: {  	s22 =	simm.s32 $0x1BFF;
	s21 =	sshll.u32 s6, $0x1;
	s3 =	sadd.s32 s4, s19  }
0x9c: {  	s7 =	simm.s32 $0x0;
	s20 =	sshll.u32 s5, $0x1;
	s5 =	sadd.s32 s21, s3  }
0x9d: {  	[timem:s7], [sflag:s22] =	dma.local [hbm:s5], s20  }
0x9e: {  	_ =	swait.ge [sflag:s22], s20  }
0x9f: {  	s4 =	ssub.s32 $0x0, s20;
	[sflag:s22] =	ssyncset.done $0x0  }
0xa0: {  	[sflag:s22] =	ssyncadd.s32 s4;
	_ =	sdelay $0x1  }
0xa1: {  	s23 =	simm.s32 $0x1B8B  }
0xa2: {  	_ =	swait.ge [sflag:s23], $0x1  }
0xa3: {  	[sflag:s23] =	ssyncset.done $0x0  }
0xa4: {  	s25 =	simm.s32 $0x1B8E;
	s24 =	sld [smem:$0x3FFE];
	[sflag:s23] =	ssyncadd.s32 $0xFFFFFFFF  }
0xa5: {  	s26 =	simm.s32 $execute0_lowered;
	[smem:$0x3FD2] =	sst s25  }
0xa6: {  	s5 =	sshll.u32 s26, $0x1;
	_ =	strace $0x80000046;
	[dreg:$0x1] =	wrdreg $0xFFFFFFFF  }
0xa7: {  	s28 =	simm.s32 $_size_execute0_lowered;
	s3 =	sadd.s32 s3, s5;
	[dreg:$0x0] =	wrdreg $0x0  }
0xa8: {  	s5 =	sshll.u32 s28, $0x1;
	[dreg:$0x2] =	wrdreg s3  }
0xa9: {  	[dreg:$0x3] =	wrdreg s5  }
0xaa: {  	[dreg:$0x4] =	wrdreg $0xC0  }
0xab: {  	_ =	task [dreg:s7], $0x5FFFF  }
0xac: {  	[dreg:$0x1] =	wrdreg $0xFFFFFFFF  }
0xad: {  	[dreg:$0x0] =	wrdreg $0x60  }
0xae: {  	[dreg:$0x2] =	wrdreg s24  }
0xaf: {  	[dreg:$0x3] =	wrdreg s2  }
0xb0: {  	[dreg:$0x4] =	wrdreg $0x30700  }
0xb1: {  	[dreg:$0x5] =	wrdreg $0x9  }
0xb2: {  	_ =	task.clear_ibuf [dreg:s7], $0x6FFFF;
	_ =	strace $0x90000046  }
0xb3: {  	s29 =	simm.s32 $0x9;
	_ =	strace $0x80000048  }
0xb4: {  	_ =	swait.ge [sflag:s29], $0x1  }
0xb5: {  	[sflag:s29] =	ssyncadd.s32 $0xFFFFFFFF  }
0xb6: {  	_ =	strace $0x90000048  }
0xb7: {  	_ =	sfence  }
0xb8: {  	s30 =	sld [smem:$0x0];
	_ =	sdelay $0x2  }
0xb9: {  	s31 =	sshll.u32 s1, $0xD;
	s1 =	sshrl.u32 s1, $0x2  }
0xba: {  	s3 =	sand.u32 $0x4000, s31;
	s1 =	sadd.s32 s1, s30  }
0xbb: {  	s0 =	sor.u32 s3, s0;
	s1 =	sshll.u32 s1, $0x11  }
0xbc: {  	s0 =	sor.u32 s1, s0  }
0xbd: {  	s0 =	sadd.s32 $0x8F2B, s0  }
0xbe: {  	[sflag:s0] =	ssyncadd.remote.s32 $0x1  }
0xbf: {  	_ =	sfence.sel $0xFFFF  }
0xc0: {  	[dreg:$0x0] =	wrdreg $0xFFFFFFFF;
	(pc) =	sbr.abs _section_cstart, $3  }
0xc1: {  	[dreg:$0x1] =	wrdreg $0xFFFFFFFF  }
0xc2: {  	_ =	task.clear_ibuf [dreg:s7], $0x2FFFF;
	_ =	strace $0x9FFFFFFF  }
0xc3: {  	(tm) =	ssettm $0x7FFFFFFF  }
tec
execute0_lowered:
.L_overlay_start_1:
0x0: {  	(tag) =	ssettag $0x1  }
0x1: {  	s5 =	rddreg [dreg:$0x0]  }
0x2: {  	s0 =	srdreg.scid;
	s6 =	rddreg [dreg:$0x1]  }
0x3: {  	s2 =	rddreg [dreg:$0x2];
	s3 =	simm.s32 $0x0;
	s4 =	sand.u32 $0x1, s0  }
0x4: {  	s11 =	simm.s32 $0x28A0;
	s0 =	stileid.u32;
	s8 =	smul.u32 $0x27100, s4  }
0x5: {  	[smem:$0x7FF] =	sst s3;
	s1 =	sshll.u32 s4, $0x4;
	s9 =	smul.u32 $0x2710, s0  }
0x6: {  	s4 =	ssub.s32 $0x2, s4;
	s29 =	smul.u32 $0x9C40, s0;
	s12 =	sshll.u32 s0, $0x6  }
0x7: {  	s1 =	sor.u32 s0, s1;
	s10 =	sshrl.u32 s4, $0x1;
	s12 =	sor.u32 $0x1C01, s12  }
0x8: {  	s7 =	smul.u32 $0x28A0, s1;
	s1 =	rddreg [dreg:$0x3];
	_ =	strace $0x80000047  }
0x9: {  	s28 =	sadd.s32 s9, s8;
	s10 =	ssub.s32 s4, s10;
	s13 =	sadd.s32 s9, s2  }
0xa: {  	s31 =	sshrl.u32 s29, $0x2;
	s8 =	simm.s32 $0x2EE0;
	s7 =	sshrl.u32 s7, $0x3  }
0xb: {  	s9 =	simm.s32 $0x1;
	s30 =	sshrl.u32 s28, $0x3;
	s5 =	sadd.s32 s5, s7  }
0xc: {  	s13 =	sshrl.u32 s13, $0x3;
	s7 =	sadd.s32 s31, s2;
	s4 =	sadd.s32 $0xC480, s5  }
0xd: {  	v0 =	vimm.f32 $1.000000000e+00;
	v1 =	vimm.f32 $0.0e+00;
	s5 =	sadd.s32 s6, s30;
	s6 =	smax.u32 s10, $0x1;
	s10 =	simm.s32 $0x64  }
.LBB2_1:
0xe: {  	s14 =	simm.s32 $0x40;
	s15 =	simm.s32 $0x0  }
.LBB2_2:
0xf: {  	p0 =	sne.s32 s14, $0x18C0;
	[tilespmem:s15+$0x28A0] =	vst v0;
	s15 =	smov.u32 s14;
	s14 =	sadd.s32 $0x40, s14  }
.Ltmp0:
0x10: {  	(pc) =	sbr.rel @p0 .LBB2_2-.Ltmp0, $2  }
0x11: {  	_ =	sdelay $0x2  }
0x12: {  	s15 =	sshra.s32 s15, $0x2  }
0x13: {  	[tilespmem:s15+$0x28A0] =	vst v0  }
0x14: {  	[tilespmem:$0x2EE0] =	vst v1  }
0x15: {  	[tilespmem:$0x2EF0] =	vst v1  }
0x16: {  	[tilespmem:$0x2F00] =	vst v1  }
0x17: {  	[tilespmem:$0x2F10] =	vst v1  }
0x18: {  	[tilespmem:$0x2F20] =	vst v1  }
0x19: {  	[tilespmem:$0x2F30] =	vst v1  }
0x1a: {  	[tilespmem:$0x2F40] =	vst v1  }
0x1b: {  	[tilespmem:$0x2F50] =	vst v1  }
0x1c: {  	[tilespmem:$0x2F60] =	vst v1  }
0x1d: {  	[tilespmem:$0x2F70] =	vst v1  }
0x1e: {  	[tilespmem:$0x2F80] =	vst v1  }
0x1f: {  	[tilespmem:$0x2F90] =	vst v1  }
0x20: {  	[tilespmem:$0x2FA0] =	vst v1  }
0x21: {  	[tilespmem:$0x2FB0] =	vst v1  }
0x22: {  	[tilespmem:$0x2FC0] =	vst v1  }
0x23: {  	[tilespmem:$0x2FD0] =	vst v1  }
0x24: {  	[tilespmem:$0x2FE0] =	vst v1  }
0x25: {  	[tilespmem:$0x2FF0] =	vst v1  }
0x26: {  	[tilespmem:$0x3000] =	vst v1  }
0x27: {  	[tilespmem:$0x3010] =	vst v1  }
0x28: {  	[tilespmem:$0x3020] =	vst v1  }
0x29: {  	[tilespmem:$0x3030] =	vst v1  }
0x2a: {  	[tilespmem:$0x3040] =	vst v1  }
0x2b: {  	[tilespmem:$0x3050] =	vst v1  }
0x2c: {  	s14 =	sadd.s32 $0x0, s7;
	[tilespmem:$0x3060] =	vst v1  }
0x2d: {  	[spmem:s14] =	stream.linear.scatter [tilespmem:s8], [sflag:$0x1], $0x190, $0x38;
	[tilespmem:$0x5780] =	vst v63  }
0x2e: {  	s14 =	simm.s32 $0x640;
	_ =	swait.ge [sflag:s9], $0x190  }
.LBB2_4:
0x2f: {  	s15 =	sshra.s32 s14, $0x2;
	[sflag:s9] =	ssyncset.done $0x0;
	p0 =	sne.s32 s14, $0x9600  }
.Ltmp1:
0x30: {  	s15 =	sadd.s32 s15, s7;
	[sflag:s9] =	ssyncadd.s32 $0xFFFFFE70;
	(pc) =	sbr.rel @p0 .LBB2_4-.Ltmp1, $3  }
0x31: {  	[spmem:s15] =	stream.linear.scatter [tilespmem:s8], [sflag:$0x1], $0x190, $0x38;
	[tilespmem:$0x5780] =	vst v63  }
0x32: {  	s14 =	sadd.s32 $0x640, s14;
	_ =	sdelay $0x1  }
0x33: {  	_ =	swait.ge [sflag:s9], $0x190  }
0x34: {  	[sflag:s9] =	ssyncset.done $0x0  }
0x35: {  	[sflag:s9] =	ssyncadd.s32 $0xFFFFFE70  }
0x36: {  	s14 =	simm.s32 $0x0;
	[bflag:$0x0] =	sbarrier.arrive $0xFFFF  }
0x37: {  	[tilespmem:s14], [sflag:$0x1] =	stream.linear.gather [hbm4b:s4+s14], $0x28A0, $0x38;
	[tilespmem:$0x5780] =	vst v63  }
0x38: {  	_ =	swait.ge [sflag:s9], $0x28A0  }
0x39: {  	[sflag:s9] =	ssyncset.done $0x0  }
0x3a: {  	s31 =	simm.s32 $0x0;
	[sflag:s9] =	ssyncadd.s32 $0xFFFFD760  }
0x3b: {  	[spmem:s2] =	stream.indirect.scatter.add.f32 [tilespmem:s11], [sflag:$0x1], $0x10, s31, s10, $0xb8;
	[tilespmem:$0x5780] =	vst v63  }
0x3c: {  	_ =	swait.ge [sflag:s9], $0x640  }
0x3d: {  	s14 =	simm.s32 $0x1A0;
	[sflag:s9] =	ssyncset.done $0x0  }
.LBB2_6:
0x3e: {  	s15 =	sshra.s32 s14, $0x2;
	[sflag:s9] =	ssyncadd.s32 $0xFFFFF9C0;
	p0 =	sne.s32 s14, $0xA0E0  }
0x3f: {  	[spmem:s2] =	stream.indirect.scatter.add.f32 [tilespmem:s11], [sflag:$0x1], $0x10, s15, s10, $0xb8;
	[tilespmem:$0x5780] =	vst v63  }
.Ltmp2:
0x40: {  	_ = 	snop;
	(pc) =	sbr.rel @p0 .LBB2_6-.Ltmp2, $4  }
0x41: {  	_ = 	snop  }
0x42: {  	s14 =	sadd.s32 $0x1A0, s14  }
0x43: {  	_ =	swait.ge [sflag:s9], $0x640  }
0x44: {  	[sflag:s9] =	ssyncset.done $0x0  }
0x45: {  	s3 =	sadd.s32 $0x1, s3  }
0x46: {  	[sflag:s9] =	ssyncadd.s32 $0xFFFFF9C0;
	p0 =	sne.s32 s3, s6  }
.Ltmp3:
0x47: {  	[bflag:$0x0] =	sbarrier.arrive $0xFFFF;
	(pc) =	sbr.rel @p0 .LBB2_1-.Ltmp3, $4  }
0x48: {  	[hbm:s5], [sflag:s12] =	dma.local [spmem:s13], $0x4E2  }
0x49: {  	_ =	swait.ge [sflag:s9], $0x4E2  }
0x4a: {  	[sflag:s9] =	ssyncset.done $0x0  }
0x4b: {  	[sflag:s9] =	ssyncadd.s32 $0xFFFFFB1E  }
0x4c: {  	_ =	sfence.sel $0x180000  }
0x4d: {  	[bflag:$0x0] =	sbarrier.arrive $0xFFFF  }
0x4e: {  	p0 =	sne.s32 s0, $0x0;
	_ =	strace $0x90000047  }
0x4f: {  	s0 =	sadd.s32 @!p0 $0x100000, s1;
	[bflag:$0x2] =	sbarrier.arrive $0xFFFF  }
0x50: {  	[sflag:s0] =	ssyncadd.tile.s32 @!p0 $0x1;
	_ =	shalt  }
.Lfunc_end2:
_tile_overlayer_lowered:
.L_overlay_start_2:
0x51: {  	(tag) =	ssettag $0x2  }
0x52: {  	s0 =	rddreg [dreg:$0x0];
	s2 =	stileid.u32  }
0x53: {  	s1 =	rddreg [dreg:$0x1];
	p0 =	sne.s32 s2, $0x0  }
0x54: {  	s3 =	rddreg [dreg:$0x2];
	[bflag:$0x3] =	sbarrier.arrive $0xFFFF;
	s2 =	simm.s32 @!p0 $0x1C01  }
0x55: {  	[timem:s3], [sflag:s2] =	dma.local @!p0 [hbm:s0], s1  }
0x56: {  	s0 =	simm.s32 @!p0 $0x1  }
0x57: {  	_ =	swait.ge @!p0 [sflag:s0], s1  }
0x58: {  	s1 =	ssub.s32 @!p0 $0x0, s1;
	[sflag:s0] =	ssyncset.done @!p0 $0x0  }
0x59: {  	[sflag:s0] =	ssyncadd.s32 @!p0 s1  }
0x5a: {  	[bflag:$0x3] =	sbarrier.arrive $0xFFFF  }
0x5b: {  	_ =	shalt  }

</sc_bundles>
